<compile_context>
chip_gen: v7x
topology: tpu7x:2x2x1
jax: 0.10.2.dev20260603
libtpu: 0.0.44.dev20260713+nightly
codegen_flags: <defaults>
</compile_context>

<pallas_src>
import jax
import jax.numpy as jnp
import numpy as np
from jax import lax
from jax.experimental import pallas as pl
from jax.experimental.pallas import tpu as pltpu
from jax.experimental.pallas import tpu_sc as plsc

H = W = 2048
PW = 2049
NW = 32
ROWS_PER_TILE = H // NW
LANES = 16
NVEC = W // LANES


def _sc_gather_body(tbl, xsr, ysr, out, xv, yv, idxv, vg, spb, s0):
    sid = lax.axis_index("s")
    wid = sid * 2 + lax.axis_index("c")
    row0 = wid * ROWS_PER_TILE

    def row_body(r, carry):
        i = row0 + r
        pltpu.sync_copy(xsr.at[i], xv)
        pltpu.sync_copy(ysr.at[i], yv)

        def cbody(k, minmax):
            off = k * LANES
            sl = pl.ds(off, LANES)
            xsv = xv[sl]
            ysv = yv[sl]
            xcl = jnp.minimum(jnp.maximum(xsv, -4096.0), 4096.0)
            ycl = jnp.minimum(jnp.maximum(ysv, -4096.0), 4096.0)
            xi = xcl.astype(jnp.int32)
            yi = ycl.astype(jnp.int32)
            x0 = jnp.where(xi.astype(jnp.float32) > xcl, xi - 1, xi)
            y0 = jnp.where(yi.astype(jnp.float32) > ycl, yi - 1, yi)
            ix = jnp.clip(x0 + 1, 0, W)
            iy = jnp.clip(y0 + 1, 0, H)
            f = iy * PW + ix
            idxv[sl] = f
            vmin, vmax = minmax
            return jnp.minimum(vmin, f), jnp.maximum(vmax, f)

        big = jnp.full((LANES,), jnp.int32(2147483647))
        small = jnp.full((LANES,), jnp.int32(-2147483648))
        vmin, vmax = lax.fori_loop(0, NVEC, cbody, (big, small))
        m0 = vmin[0]
        uniform = m0 == vmax[0]
        for j in range(1, LANES):
            uniform = uniform & (vmin[j] == m0) & (vmax[j] == m0)

        @pl.when(uniform)
        def _():
            pltpu.async_copy(
                tbl.at[idxv.at[pl.ds(0, 8)]], vg.at[pl.ds(0, 8)], s0).wait()
            rep = 8
            while rep < W:
                pltpu.sync_copy(vg.at[pl.ds(0, rep)],
                                spb.at[sid, pl.ds(0, rep)])
                pltpu.sync_copy(spb.at[sid, pl.ds(0, rep)],
                                vg.at[pl.ds(rep, rep)])
                rep *= 2

        @pl.when(jnp.logical_not(uniform))
        def _():
            pltpu.async_copy(tbl.at[idxv], vg, s0).wait()

        pltpu.sync_copy(vg, out.at[i])
        return 0

    lax.fori_loop(0, ROWS_PER_TILE, row_body, 0)


def _make_gather():
    mesh = plsc.VectorSubcoreMesh(core_axis_name="c", subcore_axis_name="s")
    return pl.kernel(
        _sc_gather_body,
        out_type=jax.ShapeDtypeStruct((H, W, 8), jnp.float32),
        mesh=mesh,
        compiler_params=pltpu.CompilerParams(use_tc_tiling_on_sc=False),
        scratch_types=[
            pltpu.VMEM((W,), jnp.float32),
            pltpu.VMEM((W,), jnp.float32),
            pltpu.VMEM((W,), jnp.int32),
            pltpu.VMEM((W, 8), jnp.float32),
            pltpu.VMEM_SHARED((16, W // 2, 8), jnp.float32),
            pltpu.SemaphoreType.DMA,
        ],
    )


def kernel(input_fmap, theta):
    B, C = 1, 1
    out_H, out_W = H, W
    x = jnp.linspace(0.0, out_W - 1.0, out_W) / (out_W - 1.0)
    y = jnp.linspace(0.0, out_H - 1.0, out_H) / (out_H - 1.0)
    xt, yt = jnp.meshgrid(x, y)
    xt = jnp.tile(xt[None, :, :], (B, 1, 1))
    yt = jnp.tile(yt[None, :, :], (B, 1, 1))
    base_grid = jnp.stack([xt, yt], axis=0)
    bg = jnp.transpose(base_grid, (2, 3, 0, 1))
    ones = jnp.ones((out_H, out_W, 1, B), dtype=jnp.float32)
    bg = jnp.concatenate([bg, ones], axis=2)
    th = jnp.squeeze(jnp.reshape(theta, (B, 2, 3, C)))
    M1 = jnp.array([[1.0, np.pi, 0.2], [np.pi, 1.0, 0.2]], dtype=jnp.float32)
    M2 = jnp.array([[0.5, -np.pi / 2, -0.1], [-np.pi / 2, 0.5, -0.1]],
                   dtype=jnp.float32)
    th = th * M1 + M2
    batch_grids = jnp.matmul(th, bg)
    batch_grids = jnp.transpose(batch_grids, (2, 3, 0, 1))
    xs = batch_grids[0] * (W - 1)
    ys = batch_grids[1] * (H - 1)
    xs2 = jnp.reshape(xs, (out_H, out_W))
    ys2 = jnp.reshape(ys, (out_H, out_W))

    img2d = jnp.reshape(input_fmap, (H, W))
    impad = jnp.pad(img2d, ((1, 1), (1, 1)), mode="edge")
    ca = impad[0:PW, 0:PW]
    cb = impad[1:PW + 1, 0:PW]
    cc = impad[0:PW, 1:PW + 1]
    cd = impad[1:PW + 1, 1:PW + 1]
    tbl = jnp.concatenate(
        [jnp.stack([ca, cb, cc, cd], axis=-1),
         jnp.zeros((PW, PW, 4), jnp.float32)], axis=-1)
    tbl = jnp.reshape(tbl, (PW * PW, 8))

    gather = _make_gather()
    corners = gather(tbl, xs2, ys2)
    c2 = jnp.reshape(corners, (H, W * 8))
    Ia = c2[:, 0::8]
    Ib = c2[:, 1::8]
    Ic = c2[:, 2::8]
    Id = c2[:, 3::8]

    x0 = jnp.floor(xs2).astype(jnp.int32)
    x1 = x0 + 1
    y0 = jnp.floor(ys2).astype(jnp.int32)
    y1 = y0 + 1
    x0 = jnp.clip(x0, 0, W - 1)
    x1 = jnp.clip(x1, 0, W - 1)
    y0 = jnp.clip(y0, 0, H - 1)
    y1 = jnp.clip(y1, 0, H - 1)
    x0f = x0.astype(jnp.float32)
    x1f = x1.astype(jnp.float32)
    y0f = y0.astype(jnp.float32)
    y1f = y1.astype(jnp.float32)
    wa = (x1f - xs2) * (y1f - ys2)
    wb = (x1f - xs2) * (ys2 - y0f)
    wc = (xs2 - x0f) * (y1f - ys2)
    wd = (xs2 - x0f) * (ys2 - y0f)
    out = wa * Ia + wb * Ib + wc * Ic + wd * Id
    return jnp.reshape(out, (B, out_H, out_W, C))

# --- scband reference (transcript-rebuilt; emitter-appended) ---
"""Pipeline reference for scband-spatial-transformer-affine-13503377179119 (READ-ONLY COPY).

The authoritative reference and input builder live on the scoring server;
editing this copy changes nothing except your own understanding.
"""

import jax, jax.numpy as jnp
import numpy as np

IMG_H, IMG_W = 2048, 2048
OUT_H, OUT_W = 2048, 2048
BATCH = 1
CHAN = 1


def setup_inputs(seed: int = 0) -> dict:
    key = jax.random.key(seed)
    k1, k2 = jax.random.split(key)
    input_fmap = jax.random.normal(k1, (BATCH, IMG_H, IMG_W, CHAN), dtype=jnp.float32)
    theta = jax.random.normal(k2, (BATCH, 2, 3, CHAN), dtype=jnp.float32)
    return {"input_fmap": input_fmap, "theta": theta}


def _pixel_intensity(img, x, y, out_H, out_W):
    B = img.shape[0]
    b = jnp.tile(jnp.arange(B, dtype=jnp.int32).reshape(B, 1, 1), (1, out_H, out_W))
    return img[b, y, x]  # gather_nd -> (B, out_H, out_W, C)


def _bilinear_sampler(img, x, y, out_H, out_W):
    B, H, W, C = img.shape
    max_x = W - 1
    max_y = H - 1
    x0 = jnp.floor(x).astype(jnp.int32)
    x1 = x0 + 1
    y0 = jnp.floor(y).astype(jnp.int32)
    y1 = y0 + 1
    x0 = jnp.clip(x0, 0, max_x)
    x1 = jnp.clip(x1, 0, max_x)
    y0 = jnp.clip(y0, 0, max_y)
    y1 = jnp.clip(y1, 0, max_y)
    Ia = _pixel_intensity(img, x0, y0, out_H, out_W)
    Ib = _pixel_intensity(img, x0, y1, out_H, out_W)
    Ic = _pixel_intensity(img, x1, y0, out_H, out_W)
    Id = _pixel_intensity(img, x1, y1, out_H, out_W)
    x0f = x0.astype(jnp.float32)
    x1f = x1.astype(jnp.float32)
    y0f = y0.astype(jnp.float32)
    y1f = y1.astype(jnp.float32)
    wa = ((x1f - x) * (y1f - y))[..., None]
    wb = ((x1f - x) * (y - y0f))[..., None]
    wc = ((x - x0f) * (y1f - y))[..., None]
    wd = ((x - x0f) * (y - y0f))[..., None]
    return wa * Ia + wb * Ib + wc * Ic + wd * Id


def reference(input_fmap, theta):
    B = BATCH
    H, W = IMG_H, IMG_W
    out_H, out_W = OUT_H, OUT_W
    C = input_fmap.shape[3]
    # base grid built in __init__
    x = jnp.linspace(0.0, out_W - 1.0, out_W) / (out_W - 1.0)
    y = jnp.linspace(0.0, out_H - 1.0, out_H) / (out_H - 1.0)
    xt, yt = jnp.meshgrid(x, y)
    xt = jnp.tile(xt[None, :, :], (B, 1, 1))
    yt = jnp.tile(yt[None, :, :], (B, 1, 1))
    base_grid = jnp.stack([xt, yt], axis=0)  # (2, B, out_H, out_W)
    bg = jnp.transpose(base_grid, (2, 3, 0, 1))  # (out_H, out_W, 2, B)
    ones = jnp.ones((out_H, out_W, 1, B), dtype=jnp.float32)
    bg = jnp.concatenate([bg, ones], axis=2)  # (out_H, out_W, 3, B)
    th = jnp.squeeze(jnp.reshape(theta, (B, 2, 3, C)))  # (2, 3) for B=1, C=1
    M1 = jnp.array([[1.0, np.pi, 0.2], [np.pi, 1.0, 0.2]], dtype=jnp.float32)
    M2 = jnp.array([[0.5, -np.pi / 2, -0.1], [-np.pi / 2, 0.5, -0.1]], dtype=jnp.float32)
    th = th * M1 + M2
    batch_grids = jnp.matmul(th, bg)  # (out_H, out_W, 2, B)
    batch_grids = jnp.transpose(batch_grids, (2, 3, 0, 1))  # (2, B, out_H, out_W)
    xs = batch_grids[0] * (W - 1)
    ys = batch_grids[1] * (H - 1)
    return _bilinear_sampler(input_fmap, xs, ys, out_H, out_W)

if __name__ == "__main__":
    import jax
    _d = setup_inputs()
    print(jax.jit(kernel)(*tuple(_d.values())))

</pallas_src>

<mosaic_0001>
#map = affine_map<(d0, d1) -> (0, 0)>
#map1 = affine_map<(d0, d1) -> (0, 0, 0)>
module attributes {stable_mosaic.version = 14 : i64} {
  func.func @_sc_gather_body(%arg0: i32, %arg1: i32, %arg2: memref<4198401x8xf32, #tpu.memory_space<hbm>>, %arg3: memref<2048x2048xf32, #tpu.memory_space<hbm>>, %arg4: memref<2048x2048xf32, #tpu.memory_space<hbm>>, %arg5: memref<2048x2048x8xf32, #tpu.memory_space<hbm>>, %arg6: memref<2048xf32, #tpu.memory_space<vmem>>, %arg7: memref<2048xf32, #tpu.memory_space<vmem>>, %arg8: memref<2048xi32, #tpu.memory_space<vmem>>, %arg9: memref<2048x8xf32, #tpu.memory_space<vmem>>, %arg10: memref<16x1024x8xf32, #tpu.memory_space<vmem_shared>>, %arg11: memref<!tpu.dma_semaphore, #tpu.memory_space<semaphore_mem>>) attributes {dimension_semantics = [#tpu.dimension_semantics<core_parallel>, #tpu.dimension_semantics<subcore_parallel>], iteration_bounds = array<i64: 2, 16>, scalar_prefetch = 0 : i64, scratch_operands = 6 : i64, tpu.core_type = #tpu.core_type<sc_vector_subcore>, window_params = [{transform_indices = #map}, {transform_indices = #map}, {transform_indices = #map}, {transform_indices = #map1}]} {
    %mul3A = arith.constant 2 : i32
    %mul3A_0 = arith.muli %arg1, %mul3A : i32
    %add3A = arith.addi %mul3A_0, %arg0 : i32
    %mul3A_1 = arith.constant 64 : i32
    %mul3A_2 = arith.muli %add3A, %mul3A_1 : i32
    %scan3A = arith.constant 0 : i32
    %scan3A_3 = arith.constant 0 : i32
    %scan3A_4 = arith.constant 64 : i32
    %scan3A_5 = arith.addi %scan3A_3, %scan3A_4 : i32
    %scan3A_6 = arith.constant 1 : i32
    %scan3A_7 = scf.for %scan3A_9 = %scan3A_3 to %scan3A_5 step %scan3A_6 iter_args(%scan3A_10 = %scan3A) -> (i32)  : i32 {
      %add3A_11 = arith.addi %mul3A_2, %scan3A_9 : i32
      "tpu.region"() ({
        %run_scoped3A = tpu.sem_alloc : memref<!tpu.dma_semaphore, #tpu.memory_space<semaphore_mem>>
        %dma_start3A = arith.constant 0 : i32
        %dma_start3A_148 = tpu.memref_slice %arg3[%add3A_11, %dma_start3A] : memref<2048x2048xf32, #tpu.memory_space<hbm>> -> memref<1x2048xf32, #tpu.memory_space<hbm>>
        %dma_start3A_149 = tpu.memref_squeeze %dma_start3A_148 : memref<1x2048xf32, #tpu.memory_space<hbm>> -> memref<2048xf32, #tpu.memory_space<hbm>>
        %dma_start3A_150 = arith.constant 0 : i32
        %dma_start3A_151 = tpu.memref_slice %arg3[%add3A_11, %dma_start3A_150] : memref<2048x2048xf32, #tpu.memory_space<hbm>> -> memref<1x2048xf32, #tpu.memory_space<hbm>>
        %dma_start3A_152 = tpu.memref_squeeze %dma_start3A_151 : memref<1x2048xf32, #tpu.memory_space<hbm>> -> memref<2048xf32, #tpu.memory_space<hbm>>
        tpu.enqueue_dma source(%dma_start3A_152 : memref<2048xf32, #tpu.memory_space<hbm>>) target(%arg6 : memref<2048xf32, #tpu.memory_space<vmem>>) target_semaphore(%run_scoped3A : memref<!tpu.dma_semaphore, #tpu.memory_space<semaphore_mem>>)
        %dma_wait3A = arith.constant 0 : i32
        %dma_wait3A_153 = tpu.memref_slice %arg3[%add3A_11, %dma_wait3A] : memref<2048x2048xf32, #tpu.memory_space<hbm>> -> memref<1x2048xf32, #tpu.memory_space<hbm>>
        %dma_wait3A_154 = tpu.memref_squeeze %dma_wait3A_153 : memref<1x2048xf32, #tpu.memory_space<hbm>> -> memref<2048xf32, #tpu.memory_space<hbm>>
        %dma_wait3A_155 = arith.constant 0 : i32
        %dma_wait3A_156 = tpu.memref_slice %arg3[%add3A_11, %dma_wait3A_155] : memref<2048x2048xf32, #tpu.memory_space<hbm>> -> memref<1x2048xf32, #tpu.memory_space<hbm>>
        %dma_wait3A_157 = tpu.memref_squeeze %dma_wait3A_156 : memref<1x2048xf32, #tpu.memory_space<hbm>> -> memref<2048xf32, #tpu.memory_space<hbm>>
        tpu.wait_dma2 semaphore(%run_scoped3A : memref<!tpu.dma_semaphore, #tpu.memory_space<semaphore_mem>>) src(%dma_wait3A_157 : memref<2048xf32, #tpu.memory_space<hbm>>) dst(%arg6 : memref<2048xf32, #tpu.memory_space<vmem>>)
        tpu.yield
      }) : () -> ()
      "tpu.region"() ({
        %run_scoped3A = tpu.sem_alloc : memref<!tpu.dma_semaphore, #tpu.memory_space<semaphore_mem>>
        %dma_start3A = arith.constant 0 : i32
        %dma_start3A_148 = tpu.memref_slice %arg4[%add3A_11, %dma_start3A] : memref<2048x2048xf32, #tpu.memory_space<hbm>> -> memref<1x2048xf32, #tpu.memory_space<hbm>>
        %dma_start3A_149 = tpu.memref_squeeze %dma_start3A_148 : memref<1x2048xf32, #tpu.memory_space<hbm>> -> memref<2048xf32, #tpu.memory_space<hbm>>
        %dma_start3A_150 = arith.constant 0 : i32
        %dma_start3A_151 = tpu.memref_slice %arg4[%add3A_11, %dma_start3A_150] : memref<2048x2048xf32, #tpu.memory_space<hbm>> -> memref<1x2048xf32, #tpu.memory_space<hbm>>
        %dma_start3A_152 = tpu.memref_squeeze %dma_start3A_151 : memref<1x2048xf32, #tpu.memory_space<hbm>> -> memref<2048xf32, #tpu.memory_space<hbm>>
        tpu.enqueue_dma source(%dma_start3A_152 : memref<2048xf32, #tpu.memory_space<hbm>>) target(%arg7 : memref<2048xf32, #tpu.memory_space<vmem>>) target_semaphore(%run_scoped3A : memref<!tpu.dma_semaphore, #tpu.memory_space<semaphore_mem>>)
        %dma_wait3A = arith.constant 0 : i32
        %dma_wait3A_153 = tpu.memref_slice %arg4[%add3A_11, %dma_wait3A] : memref<2048x2048xf32, #tpu.memory_space<hbm>> -> memref<1x2048xf32, #tpu.memory_space<hbm>>
        %dma_wait3A_154 = tpu.memref_squeeze %dma_wait3A_153 : memref<1x2048xf32, #tpu.memory_space<hbm>> -> memref<2048xf32, #tpu.memory_space<hbm>>
        %dma_wait3A_155 = arith.constant 0 : i32
        %dma_wait3A_156 = tpu.memref_slice %arg4[%add3A_11, %dma_wait3A_155] : memref<2048x2048xf32, #tpu.memory_space<hbm>> -> memref<1x2048xf32, #tpu.memory_space<hbm>>
        %dma_wait3A_157 = tpu.memref_squeeze %dma_wait3A_156 : memref<1x2048xf32, #tpu.memory_space<hbm>> -> memref<2048xf32, #tpu.memory_space<hbm>>
        tpu.wait_dma2 semaphore(%run_scoped3A : memref<!tpu.dma_semaphore, #tpu.memory_space<semaphore_mem>>) src(%dma_wait3A_157 : memref<2048xf32, #tpu.memory_space<hbm>>) dst(%arg7 : memref<2048xf32, #tpu.memory_space<vmem>>)
        tpu.yield
      }) : () -> ()
      %broadcast_in_dim3A = arith.constant 2147483647 : i32
      %broadcast_in_dim3A_12 = vector.broadcast %broadcast_in_dim3A : i32 to vector<16xi32>
      %broadcast_in_dim3A_13 = arith.constant -2147483648 : i32
      %broadcast_in_dim3A_14 = vector.broadcast %broadcast_in_dim3A_13 : i32 to vector<16xi32>
      %scan3A_15 = arith.constant 0 : i32
      %scan3A_16 = arith.constant 128 : i32
      %scan3A_17 = arith.addi %scan3A_15, %scan3A_16 : i32
      %scan3A_18 = arith.constant 1 : i32
      %scan3A_19:2 = scf.for %scan3A_148 = %scan3A_15 to %scan3A_17 step %scan3A_18 iter_args(%scan3A_149 = %broadcast_in_dim3A_12, %scan3A_150 = %broadcast_in_dim3A_14) -> (vector<16xi32>, vector<16xi32>)  : i32 {
        %mul3A_151 = arith.constant 16 : i32
        %mul3A_152 = arith.muli %scan3A_148, %mul3A_151 : i32
        %get3A = arith.index_cast %mul3A_152 : i32 to index
        %get3A_153 = tpu.vector_load %arg6[%get3A] {strides = array<i32>} : memref<2048xf32, #tpu.memory_space<vmem>>, vector<16xf32>,
        %get3A_154 = vector.shape_cast %get3A_153 : vector<16xf32> to vector<16xf32>
        %get3A_155 = arith.index_cast %mul3A_152 : i32 to index
        %get3A_156 = tpu.vector_load %arg7[%get3A_155] {strides = array<i32>} : memref<2048xf32, #tpu.memory_space<vmem>>, vector<16xf32>,
        %get3A_157 = vector.shape_cast %get3A_156 : vector<16xf32> to vector<16xf32>
        %max3A = arith.constant -4.096000e+03 : f32
        %max3A_158 = vector.broadcast %max3A : f32 to vector<16xf32>
        %max3A_159 = arith.maximumf %get3A_154, %max3A_158 : vector<16xf32>
        %min3A = arith.constant 4.096000e+03 : f32
        %min3A_160 = vector.broadcast %min3A : f32 to vector<16xf32>
        %min3A_161 = arith.minimumf %max3A_159, %min3A_160 : vector<16xf32>
        %max3A_162 = arith.constant -4.096000e+03 : f32
        %max3A_163 = vector.broadcast %max3A_162 : f32 to vector<16xf32>
        %max3A_164 = arith.maximumf %get3A_157, %max3A_163 : vector<16xf32>
        %min3A_165 = arith.constant 4.096000e+03 : f32
        %min3A_166 = vector.broadcast %min3A_165 : f32 to vector<16xf32>
        %min3A_167 = arith.minimumf %max3A_164, %min3A_166 : vector<16xf32>
        %convert_element_type3A_168 = arith.fptosi %min3A_161 : vector<16xf32> to vector<16xi32>
        %convert_element_type3A_169 = arith.fptosi %min3A_167 : vector<16xf32> to vector<16xi32>
        %convert_element_type3A_170 = arith.sitofp %convert_element_type3A_168 : vector<16xi32> to vector<16xf32>
        %gt3A = arith.cmpf ogt, %convert_element_type3A_170, %min3A_161 : vector<16xf32>
        %sub3A = arith.constant 1 : i32
        %sub3A_171 = vector.broadcast %sub3A : i32 to vector<16xi32>
        %sub3A_172 = arith.subi %convert_element_type3A_168, %sub3A_171 : vector<16xi32>
        %select_n3A = arith.select %gt3A, %sub3A_172, %convert_element_type3A_168 : vector<16xi1>, vector<16xi32>
        %convert_element_type3A_173 = arith.sitofp %convert_element_type3A_169 : vector<16xi32> to vector<16xf32>
        %gt3A_174 = arith.cmpf ogt, %convert_element_type3A_173, %min3A_167 : vector<16xf32>
        %sub3A_175 = arith.constant 1 : i32
        %sub3A_176 = vector.broadcast %sub3A_175 : i32 to vector<16xi32>
        %sub3A_177 = arith.subi %convert_element_type3A_169, %sub3A_176 : vector<16xi32>
        %select_n3A_178 = arith.select %gt3A_174, %sub3A_177, %convert_element_type3A_169 : vector<16xi1>, vector<16xi32>
        %add3A_179 = arith.constant 1 : i32
        %add3A_180 = vector.broadcast %add3A_179 : i32 to vector<16xi32>
        %add3A_181 = arith.addi %select_n3A, %add3A_180 : vector<16xi32>
        %jit3A = arith.constant 0 : i32
        %jit3A_182 = arith.constant 2048 : i32
        %max3A_183 = vector.broadcast %jit3A : i32 to vector<16xi32>
        %max3A_184 = arith.maxsi %max3A_183, %add3A_181 : vector<16xi32>
        %min3A_185 = vector.broadcast %jit3A_182 : i32 to vector<16xi32>
        %min3A_186 = arith.minsi %min3A_185, %max3A_184 : vector<16xi32>
        %add3A_187 = arith.constant 1 : i32
        %add3A_188 = vector.broadcast %add3A_187 : i32 to vector<16xi32>
        %add3A_189 = arith.addi %select_n3A_178, %add3A_188 : vector<16xi32>
        %jit3A_190 = arith.constant 0 : i32
        %jit3A_191 = arith.constant 2048 : i32
        %max3A_192 = vector.broadcast %jit3A_190 : i32 to vector<16xi32>
        %max3A_193 = arith.maxsi %max3A_192, %add3A_189 : vector<16xi32>
        %min3A_194 = vector.broadcast %jit3A_191 : i32 to vector<16xi32>
        %min3A_195 = arith.minsi %min3A_194, %max3A_193 : vector<16xi32>
        %mul3A_196 = arith.constant 2049 : i32
        %mul3A_197 = vector.broadcast %mul3A_196 : i32 to vector<16xi32>
        %mul3A_198 = arith.muli %min3A_195, %mul3A_197 : vector<16xi32>
        %add3A_199 = arith.addi %mul3A_198, %min3A_186 : vector<16xi32>
        %swap3A = arith.index_cast %mul3A_152 : i32 to index
        %swap3A_200 = tpu.vector_load %arg8[%swap3A] {strides = array<i32>} : memref<2048xi32, #tpu.memory_space<vmem>>, vector<16xi32>,
        %swap3A_201 = vector.shape_cast %swap3A_200 : vector<16xi32> to vector<16xi32>
        %swap3A_202 = vector.shape_cast %add3A_199 : vector<16xi32> to vector<16xi32>
        tpu.vector_store %arg8[%swap3A], %swap3A_202 {strides = array<i32>} : memref<2048xi32, #tpu.memory_space<vmem>>, vector<16xi32>,
        %min3A_203 = arith.minsi %scan3A_149, %add3A_199 : vector<16xi32>
        %max3A_204 = arith.maxsi %scan3A_150, %add3A_199 : vector<16xi32>
        scf.yield %min3A_203, %max3A_204 : vector<16xi32>, vector<16xi32>
      }
      %scan3A_20 = arith.constant 128 : i32
      %slice3A = vector.extract_strided_slice %scan3A_19#0 {offsets = [0], sizes = [1], strides = [1]} : vector<16xi32> to vector<1xi32>
      %squeeze3A = vector.extract %slice3A[0] : i32 from vector<1xi32>
      %slice3A_21 = vector.extract_strided_slice %scan3A_19#1 {offsets = [0], sizes = [1], strides = [1]} : vector<16xi32> to vector<1xi32>
      %squeeze3A_22 = vector.extract %slice3A_21[0] : i32 from vector<1xi32>
      %eq3A = arith.cmpi eq, %squeeze3A, %squeeze3A_22 : i32
      %slice3A_23 = vector.extract_strided_slice %scan3A_19#0 {offsets = [1], sizes = [1], strides = [1]} : vector<16xi32> to vector<1xi32>
      %squeeze3A_24 = vector.extract %slice3A_23[0] : i32 from vector<1xi32>
      %eq3A_25 = arith.cmpi eq, %squeeze3A_24, %squeeze3A : i32
      %and3A = arith.andi %eq3A, %eq3A_25 : i1
      %slice3A_26 = vector.extract_strided_slice %scan3A_19#1 {offsets = [1], sizes = [1], strides = [1]} : vector<16xi32> to vector<1xi32>
      %squeeze3A_27 = vector.extract %slice3A_26[0] : i32 from vector<1xi32>
      %eq3A_28 = arith.cmpi eq, %squeeze3A_27, %squeeze3A : i32
      %and3A_29 = arith.andi %and3A, %eq3A_28 : i1
      %slice3A_30 = vector.extract_strided_slice %scan3A_19#0 {offsets = [2], sizes = [1], strides = [1]} : vector<16xi32> to vector<1xi32>
      %squeeze3A_31 = vector.extract %slice3A_30[0] : i32 from vector<1xi32>
      %eq3A_32 = arith.cmpi eq, %squeeze3A_31, %squeeze3A : i32
      %and3A_33 = arith.andi %and3A_29, %eq3A_32 : i1
      %slice3A_34 = vector.extract_strided_slice %scan3A_19#1 {offsets = [2], sizes = [1], strides = [1]} : vector<16xi32> to vector<1xi32>
      %squeeze3A_35 = vector.extract %slice3A_34[0] : i32 from vector<1xi32>
      %eq3A_36 = arith.cmpi eq, %squeeze3A_35, %squeeze3A : i32
      %and3A_37 = arith.andi %and3A_33, %eq3A_36 : i1
      %slice3A_38 = vector.extract_strided_slice %scan3A_19#0 {offsets = [3], sizes = [1], strides = [1]} : vector<16xi32> to vector<1xi32>
      %squeeze3A_39 = vector.extract %slice3A_38[0] : i32 from vector<1xi32>
      %eq3A_40 = arith.cmpi eq, %squeeze3A_39, %squeeze3A : i32
      %and3A_41 = arith.andi %and3A_37, %eq3A_40 : i1
      %slice3A_42 = vector.extract_strided_slice %scan3A_19#1 {offsets = [3], sizes = [1], strides = [1]} : vector<16xi32> to vector<1xi32>
      %squeeze3A_43 = vector.extract %slice3A_42[0] : i32 from vector<1xi32>
      %eq3A_44 = arith.cmpi eq, %squeeze3A_43, %squeeze3A : i32
      %and3A_45 = arith.andi %and3A_41, %eq3A_44 : i1
      %slice3A_46 = vector.extract_strided_slice %scan3A_19#0 {offsets = [4], sizes = [1], strides = [1]} : vector<16xi32> to vector<1xi32>
      %squeeze3A_47 = vector.extract %slice3A_46[0] : i32 from vector<1xi32>
      %eq3A_48 = arith.cmpi eq, %squeeze3A_47, %squeeze3A : i32
      %and3A_49 = arith.andi %and3A_45, %eq3A_48 : i1
      %slice3A_50 = vector.extract_strided_slice %scan3A_19#1 {offsets = [4], sizes = [1], strides = [1]} : vector<16xi32> to vector<1xi32>
      %squeeze3A_51 = vector.extract %slice3A_50[0] : i32 from vector<1xi32>
      %eq3A_52 = arith.cmpi eq, %squeeze3A_51, %squeeze3A : i32
      %and3A_53 = arith.andi %and3A_49, %eq3A_52 : i1
      %slice3A_54 = vector.extract_strided_slice %scan3A_19#0 {offsets = [5], sizes = [1], strides = [1]} : vector<16xi32> to vector<1xi32>
      %squeeze3A_55 = vector.extract %slice3A_54[0] : i32 from vector<1xi32>
      %eq3A_56 = arith.cmpi eq, %squeeze3A_55, %squeeze3A : i32
      %and3A_57 = arith.andi %and3A_53, %eq3A_56 : i1
      %slice3A_58 = vector.extract_strided_slice %scan3A_19#1 {offsets = [5], sizes = [1], strides = [1]} : vector<16xi32> to vector<1xi32>
      %squeeze3A_59 = vector.extract %slice3A_58[0] : i32 from vector<1xi32>
      %eq3A_60 = arith.cmpi eq, %squeeze3A_59, %squeeze3A : i32
      %and3A_61 = arith.andi %and3A_57, %eq3A_60 : i1
      %slice3A_62 = vector.extract_strided_slice %scan3A_19#0 {offsets = [6], sizes = [1], strides = [1]} : vector<16xi32> to vector<1xi32>
      %squeeze3A_63 = vector.extract %slice3A_62[0] : i32 from vector<1xi32>
      %eq3A_64 = arith.cmpi eq, %squeeze3A_63, %squeeze3A : i32
      %and3A_65 = arith.andi %and3A_61, %eq3A_64 : i1
      %slice3A_66 = vector.extract_strided_slice %scan3A_19#1 {offsets = [6], sizes = [1], strides = [1]} : vector<16xi32> to vector<1xi32>
      %squeeze3A_67 = vector.extract %slice3A_66[0] : i32 from vector<1xi32>
      %eq3A_68 = arith.cmpi eq, %squeeze3A_67, %squeeze3A : i32
      %and3A_69 = arith.andi %and3A_65, %eq3A_68 : i1
      %slice3A_70 = vector.extract_strided_slice %scan3A_19#0 {offsets = [7], sizes = [1], strides = [1]} : vector<16xi32> to vector<1xi32>
      %squeeze3A_71 = vector.extract %slice3A_70[0] : i32 from vector<1xi32>
      %eq3A_72 = arith.cmpi eq, %squeeze3A_71, %squeeze3A : i32
      %and3A_73 = arith.andi %and3A_69, %eq3A_72 : i1
      %slice3A_74 = vector.extract_strided_slice %scan3A_19#1 {offsets = [7], sizes = [1], strides = [1]} : vector<16xi32> to vector<1xi32>
      %squeeze3A_75 = vector.extract %slice3A_74[0] : i32 from vector<1xi32>
      %eq3A_76 = arith.cmpi eq, %squeeze3A_75, %squeeze3A : i32
      %and3A_77 = arith.andi %and3A_73, %eq3A_76 : i1
      %slice3A_78 = vector.extract_strided_slice %scan3A_19#0 {offsets = [8], sizes = [1], strides = [1]} : vector<16xi32> to vector<1xi32>
      %squeeze3A_79 = vector.extract %slice3A_78[0] : i32 from vector<1xi32>
      %eq3A_80 = arith.cmpi eq, %squeeze3A_79, %squeeze3A : i32
      %and3A_81 = arith.andi %and3A_77, %eq3A_80 : i1
      %slice3A_82 = vector.extract_strided_slice %scan3A_19#1 {offsets = [8], sizes = [1], strides = [1]} : vector<16xi32> to vector<1xi32>
      %squeeze3A_83 = vector.extract %slice3A_82[0] : i32 from vector<1xi32>
      %eq3A_84 = arith.cmpi eq, %squeeze3A_83, %squeeze3A : i32
      %and3A_85 = arith.andi %and3A_81, %eq3A_84 : i1
      %slice3A_86 = vector.extract_strided_slice %scan3A_19#0 {offsets = [9], sizes = [1], strides = [1]} : vector<16xi32> to vector<1xi32>
      %squeeze3A_87 = vector.extract %slice3A_86[0] : i32 from vector<1xi32>
      %eq3A_88 = arith.cmpi eq, %squeeze3A_87, %squeeze3A : i32
      %and3A_89 = arith.andi %and3A_85, %eq3A_88 : i1
      %slice3A_90 = vector.extract_strided_slice %scan3A_19#1 {offsets = [9], sizes = [1], strides = [1]} : vector<16xi32> to vector<1xi32>
      %squeeze3A_91 = vector.extract %slice3A_90[0] : i32 from vector<1xi32>
      %eq3A_92 = arith.cmpi eq, %squeeze3A_91, %squeeze3A : i32
      %and3A_93 = arith.andi %and3A_89, %eq3A_92 : i1
      %slice3A_94 = vector.extract_strided_slice %scan3A_19#0 {offsets = [10], sizes = [1], strides = [1]} : vector<16xi32> to vector<1xi32>
      %squeeze3A_95 = vector.extract %slice3A_94[0] : i32 from vector<1xi32>
      %eq3A_96 = arith.cmpi eq, %squeeze3A_95, %squeeze3A : i32
      %and3A_97 = arith.andi %and3A_93, %eq3A_96 : i1
      %slice3A_98 = vector.extract_strided_slice %scan3A_19#1 {offsets = [10], sizes = [1], strides = [1]} : vector<16xi32> to vector<1xi32>
      %squeeze3A_99 = vector.extract %slice3A_98[0] : i32 from vector<1xi32>
      %eq3A_100 = arith.cmpi eq, %squeeze3A_99, %squeeze3A : i32
      %and3A_101 = arith.andi %and3A_97, %eq3A_100 : i1
      %slice3A_102 = vector.extract_strided_slice %scan3A_19#0 {offsets = [11], sizes = [1], strides = [1]} : vector<16xi32> to vector<1xi32>
      %squeeze3A_103 = vector.extract %slice3A_102[0] : i32 from vector<1xi32>
      %eq3A_104 = arith.cmpi eq, %squeeze3A_103, %squeeze3A : i32
      %and3A_105 = arith.andi %and3A_101, %eq3A_104 : i1
      %slice3A_106 = vector.extract_strided_slice %scan3A_19#1 {offsets = [11], sizes = [1], strides = [1]} : vector<16xi32> to vector<1xi32>
      %squeeze3A_107 = vector.extract %slice3A_106[0] : i32 from vector<1xi32>
      %eq3A_108 = arith.cmpi eq, %squeeze3A_107, %squeeze3A : i32
      %and3A_109 = arith.andi %and3A_105, %eq3A_108 : i1
      %slice3A_110 = vector.extract_strided_slice %scan3A_19#0 {offsets = [12], sizes = [1], strides = [1]} : vector<16xi32> to vector<1xi32>
      %squeeze3A_111 = vector.extract %slice3A_110[0] : i32 from vector<1xi32>
      %eq3A_112 = arith.cmpi eq, %squeeze3A_111, %squeeze3A : i32
      %and3A_113 = arith.andi %and3A_109, %eq3A_112 : i1
      %slice3A_114 = vector.extract_strided_slice %scan3A_19#1 {offsets = [12], sizes = [1], strides = [1]} : vector<16xi32> to vector<1xi32>
      %squeeze3A_115 = vector.extract %slice3A_114[0] : i32 from vector<1xi32>
      %eq3A_116 = arith.cmpi eq, %squeeze3A_115, %squeeze3A : i32
      %and3A_117 = arith.andi %and3A_113, %eq3A_116 : i1
      %slice3A_118 = vector.extract_strided_slice %scan3A_19#0 {offsets = [13], sizes = [1], strides = [1]} : vector<16xi32> to vector<1xi32>
      %squeeze3A_119 = vector.extract %slice3A_118[0] : i32 from vector<1xi32>
      %eq3A_120 = arith.cmpi eq, %squeeze3A_119, %squeeze3A : i32
      %and3A_121 = arith.andi %and3A_117, %eq3A_120 : i1
      %slice3A_122 = vector.extract_strided_slice %scan3A_19#1 {offsets = [13], sizes = [1], strides = [1]} : vector<16xi32> to vector<1xi32>
      %squeeze3A_123 = vector.extract %slice3A_122[0] : i32 from vector<1xi32>
      %eq3A_124 = arith.cmpi eq, %squeeze3A_123, %squeeze3A : i32
      %and3A_125 = arith.andi %and3A_121, %eq3A_124 : i1
      %slice3A_126 = vector.extract_strided_slice %scan3A_19#0 {offsets = [14], sizes = [1], strides = [1]} : vector<16xi32> to vector<1xi32>
      %squeeze3A_127 = vector.extract %slice3A_126[0] : i32 from vector<1xi32>
      %eq3A_128 = arith.cmpi eq, %squeeze3A_127, %squeeze3A : i32
      %and3A_129 = arith.andi %and3A_125, %eq3A_128 : i1
      %slice3A_130 = vector.extract_strided_slice %scan3A_19#1 {offsets = [14], sizes = [1], strides = [1]} : vector<16xi32> to vector<1xi32>
      %squeeze3A_131 = vector.extract %slice3A_130[0] : i32 from vector<1xi32>
      %eq3A_132 = arith.cmpi eq, %squeeze3A_131, %squeeze3A : i32
      %and3A_133 = arith.andi %and3A_129, %eq3A_132 : i1
      %slice3A_134 = vector.extract_strided_slice %scan3A_19#0 {offsets = [15], sizes = [1], strides = [1]} : vector<16xi32> to vector<1xi32>
      %squeeze3A_135 = vector.extract %slice3A_134[0] : i32 from vector<1xi32>
      %eq3A_136 = arith.cmpi eq, %squeeze3A_135, %squeeze3A : i32
      %and3A_137 = arith.andi %and3A_133, %eq3A_136 : i1
      %slice3A_138 = vector.extract_strided_slice %scan3A_19#1 {offsets = [15], sizes = [1], strides = [1]} : vector<16xi32> to vector<1xi32>
      %squeeze3A_139 = vector.extract %slice3A_138[0] : i32 from vector<1xi32>
      %eq3A_140 = arith.cmpi eq, %squeeze3A_139, %squeeze3A : i32
      %and3A_141 = arith.andi %and3A_137, %eq3A_140 : i1
      %convert_element_type3A = arith.extui %and3A_141 : i1 to i32
      %cond3A = arith.constant 0 : i32
      %cond3A_142 = arith.cmpi ne, %convert_element_type3A, %cond3A : i32
      scf.if %cond3A_142 {
        %dma_start3A = arith.constant 0 : i32
        %dma_start3A_148 = arith.constant 0 : i32
        %dma_start3A_149 = tpu.memref_slice %arg9[%dma_start3A, %dma_start3A_148] : memref<2048x8xf32, #tpu.memory_space<vmem>> -> memref<8x8xf32, #tpu.memory_space<vmem>>
        %dma_start3A_150 = arith.constant 0 : i32
        %dma_start3A_151 = tpu.memref_slice %arg8[%dma_start3A_150] : memref<2048xi32, #tpu.memory_space<vmem>> -> memref<8xi32, #tpu.memory_space<vmem>>
        %dma_start3A_152 = arith.constant 0 : i32
        %dma_start3A_153 = arith.constant 0 : i32
        %dma_start3A_154 = tpu.memref_slice %arg2[%dma_start3A_152, %dma_start3A_153] : memref<4198401x8xf32, #tpu.memory_space<hbm>> -> memref<4198401x8xf32, #tpu.memory_space<hbm>>
        tpu.enqueue_indirect_dma source(%dma_start3A_154 : memref<4198401x8xf32, #tpu.memory_space<hbm>>) target(%dma_start3A_149 : memref<8x8xf32, #tpu.memory_space<vmem>>) offsets(%dma_start3A_151 : memref<8xi32, #tpu.memory_space<vmem>>) semaphore(%arg11 : memref<!tpu.dma_semaphore, #tpu.memory_space<semaphore_mem>>)
        %dma_wait3A = arith.constant 0 : i32
        %dma_wait3A_155 = arith.constant 0 : i32
        %dma_wait3A_156 = tpu.memref_slice %arg9[%dma_wait3A, %dma_wait3A_155] : memref<2048x8xf32, #tpu.memory_space<vmem>> -> memref<8x8xf32, #tpu.memory_space<vmem>>
        %dma_wait3A_157 = arith.constant 0 : i32
        %dma_wait3A_158 = tpu.memref_slice %arg8[%dma_wait3A_157] : memref<2048xi32, #tpu.memory_space<vmem>> -> memref<8xi32, #tpu.memory_space<vmem>>
        %dma_wait3A_159 = arith.constant 0 : i32
        %dma_wait3A_160 = arith.constant 0 : i32
        %dma_wait3A_161 = tpu.memref_slice %arg2[%dma_wait3A_159, %dma_wait3A_160] : memref<4198401x8xf32, #tpu.memory_space<hbm>> -> memref<4198401x8xf32, #tpu.memory_space<hbm>>
        tpu.wait_indirect_dma semaphore(%arg11 : memref<!tpu.dma_semaphore, #tpu.memory_space<semaphore_mem>>) src(%dma_wait3A_161 : memref<4198401x8xf32, #tpu.memory_space<hbm>>) dst(%dma_wait3A_156 : memref<8x8xf32, #tpu.memory_space<vmem>>)
        "tpu.region"() ({
          %run_scoped3A = tpu.sem_alloc : memref<!tpu.dma_semaphore, #tpu.memory_space<semaphore_mem>>
          %dma_start3A_162 = arith.constant 0 : i32
          %dma_start3A_163 = arith.constant 0 : i32
          %dma_start3A_164 = tpu.memref_slice %arg9[%dma_start3A_162, %dma_start3A_163] : memref<2048x8xf32, #tpu.memory_space<vmem>> -> memref<8x8xf32, #tpu.memory_space<vmem>>
          %dma_start3A_165 = arith.constant 0 : i32
          %dma_start3A_166 = arith.constant 0 : i32
          %dma_start3A_167 = tpu.memref_slice %arg10[%arg1, %dma_start3A_165, %dma_start3A_166] : memref<16x1024x8xf32, #tpu.memory_space<vmem_shared>> -> memref<1x8x8xf32, #tpu.memory_space<vmem_shared>>
          %dma_start3A_168 = tpu.memref_squeeze %dma_start3A_167 : memref<1x8x8xf32, #tpu.memory_space<vmem_shared>> -> memref<8x8xf32, #tpu.memory_space<vmem_shared>>
          %dma_start3A_169 = arith.constant 0 : i32
          %dma_start3A_170 = arith.constant 0 : i32
          %dma_start3A_171 = tpu.memref_slice %arg10[%arg1, %dma_start3A_169, %dma_start3A_170] : memref<16x1024x8xf32, #tpu.memory_space<vmem_shared>> -> memref<1x8x8xf32, #tpu.memory_space<vmem_shared>>
          %dma_start3A_172 = tpu.memref_squeeze %dma_start3A_171 : memref<1x8x8xf32, #tpu.memory_space<vmem_shared>> -> memref<8x8xf32, #tpu.memory_space<vmem_shared>>
          %dma_start3A_173 = arith.constant 0 : i32
          %dma_start3A_174 = arith.constant 0 : i32
          %dma_start3A_175 = tpu.memref_slice %arg9[%dma_start3A_173, %dma_start3A_174] : memref<2048x8xf32, #tpu.memory_space<vmem>> -> memref<8x8xf32, #tpu.memory_space<vmem>>
          tpu.enqueue_dma source(%dma_start3A_175 : memref<8x8xf32, #tpu.memory_space<vmem>>) target(%dma_start3A_172 : memref<8x8xf32, #tpu.memory_space<vmem_shared>>) target_semaphore(%run_scoped3A : memref<!tpu.dma_semaphore, #tpu.memory_space<semaphore_mem>>)
          %dma_wait3A_176 = arith.constant 0 : i32
          %dma_wait3A_177 = arith.constant 0 : i32
          %dma_wait3A_178 = tpu.memref_slice %arg9[%dma_wait3A_176, %dma_wait3A_177] : memref<2048x8xf32, #tpu.memory_space<vmem>> -> memref<8x8xf32, #tpu.memory_space<vmem>>
          %dma_wait3A_179 = arith.constant 0 : i32
          %dma_wait3A_180 = arith.constant 0 : i32
          %dma_wait3A_181 = tpu.memref_slice %arg10[%arg1, %dma_wait3A_179, %dma_wait3A_180] : memref<16x1024x8xf32, #tpu.memory_space<vmem_shared>> -> memref<1x8x8xf32, #tpu.memory_space<vmem_shared>>
          %dma_wait3A_182 = tpu.memref_squeeze %dma_wait3A_181 : memref<1x8x8xf32, #tpu.memory_space<vmem_shared>> -> memref<8x8xf32, #tpu.memory_space<vmem_shared>>
          %dma_wait3A_183 = arith.constant 0 : i32
          %dma_wait3A_184 = arith.constant 0 : i32
          %dma_wait3A_185 = tpu.memref_slice %arg10[%arg1, %dma_wait3A_183, %dma_wait3A_184] : memref<16x1024x8xf32, #tpu.memory_space<vmem_shared>> -> memref<1x8x8xf32, #tpu.memory_space<vmem_shared>>
          %dma_wait3A_186 = tpu.memref_squeeze %dma_wait3A_185 : memref<1x8x8xf32, #tpu.memory_space<vmem_shared>> -> memref<8x8xf32, #tpu.memory_space<vmem_shared>>
          %dma_wait3A_187 = arith.constant 0 : i32
          %dma_wait3A_188 = arith.constant 0 : i32
          %dma_wait3A_189 = tpu.memref_slice %arg9[%dma_wait3A_187, %dma_wait3A_188] : memref<2048x8xf32, #tpu.memory_space<vmem>> -> memref<8x8xf32, #tpu.memory_space<vmem>>
          tpu.wait_dma2 semaphore(%run_scoped3A : memref<!tpu.dma_semaphore, #tpu.memory_space<semaphore_mem>>) src(%dma_wait3A_189 : memref<8x8xf32, #tpu.memory_space<vmem>>) dst(%dma_wait3A_186 : memref<8x8xf32, #tpu.memory_space<vmem_shared>>)
          tpu.yield
        }) : () -> ()
        "tpu.region"() ({
          %run_scoped3A = tpu.sem_alloc : memref<!tpu.dma_semaphore, #tpu.memory_space<semaphore_mem>>
          %dma_start3A_162 = arith.constant 8 : i32
          %dma_start3A_163 = arith.constant 0 : i32
          %dma_start3A_164 = tpu.memref_slice %arg9[%dma_start3A_162, %dma_start3A_163] : memref<2048x8xf32, #tpu.memory_space<vmem>> -> memref<8x8xf32, #tpu.memory_space<vmem>>
          %dma_start3A_165 = arith.constant 0 : i32
          %dma_start3A_166 = arith.constant 0 : i32
          %dma_start3A_167 = tpu.memref_slice %arg10[%arg1, %dma_start3A_165, %dma_start3A_166] : memref<16x1024x8xf32, #tpu.memory_space<vmem_shared>> -> memref<1x8x8xf32, #tpu.memory_space<vmem_shared>>
          %dma_start3A_168 = tpu.memref_squeeze %dma_start3A_167 : memref<1x8x8xf32, #tpu.memory_space<vmem_shared>> -> memref<8x8xf32, #tpu.memory_space<vmem_shared>>
          %dma_start3A_169 = arith.constant 8 : i32
          %dma_start3A_170 = arith.constant 0 : i32
          %dma_start3A_171 = tpu.memref_slice %arg9[%dma_start3A_169, %dma_start3A_170] : memref<2048x8xf32, #tpu.memory_space<vmem>> -> memref<8x8xf32, #tpu.memory_space<vmem>>
          %dma_start3A_172 = arith.constant 0 : i32
          %dma_start3A_173 = arith.constant 0 : i32
          %dma_start3A_174 = tpu.memref_slice %arg10[%arg1, %dma_start3A_172, %dma_start3A_173] : memref<16x1024x8xf32, #tpu.memory_space<vmem_shared>> -> memref<1x8x8xf32, #tpu.memory_space<vmem_shared>>
          %dma_start3A_175 = tpu.memref_squeeze %dma_start3A_174 : memref<1x8x8xf32, #tpu.memory_space<vmem_shared>> -> memref<8x8xf32, #tpu.memory_space<vmem_shared>>
          tpu.enqueue_dma source(%dma_start3A_175 : memref<8x8xf32, #tpu.memory_space<vmem_shared>>) target(%dma_start3A_171 : memref<8x8xf32, #tpu.memory_space<vmem>>) target_semaphore(%run_scoped3A : memref<!tpu.dma_semaphore, #tpu.memory_space<semaphore_mem>>)
          %dma_wait3A_176 = arith.constant 8 : i32
          %dma_wait3A_177 = arith.constant 0 : i32
          %dma_wait3A_178 = tpu.memref_slice %arg9[%dma_wait3A_176, %dma_wait3A_177] : memref<2048x8xf32, #tpu.memory_space<vmem>> -> memref<8x8xf32, #tpu.memory_space<vmem>>
          %dma_wait3A_179 = arith.constant 0 : i32
          %dma_wait3A_180 = arith.constant 0 : i32
          %dma_wait3A_181 = tpu.memref_slice %arg10[%arg1, %dma_wait3A_179, %dma_wait3A_180] : memref<16x1024x8xf32, #tpu.memory_space<vmem_shared>> -> memref<1x8x8xf32, #tpu.memory_space<vmem_shared>>
          %dma_wait3A_182 = tpu.memref_squeeze %dma_wait3A_181 : memref<1x8x8xf32, #tpu.memory_space<vmem_shared>> -> memref<8x8xf32, #tpu.memory_space<vmem_shared>>
          %dma_wait3A_183 = arith.constant 8 : i32
          %dma_wait3A_184 = arith.constant 0 : i32
          %dma_wait3A_185 = tpu.memref_slice %arg9[%dma_wait3A_183, %dma_wait3A_184] : memref<2048x8xf32, #tpu.memory_space<vmem>> -> memref<8x8xf32, #tpu.memory_space<vmem>>
          %dma_wait3A_186 = arith.constant 0 : i32
          %dma_wait3A_187 = arith.constant 0 : i32
          %dma_wait3A_188 = tpu.memref_slice %arg10[%arg1, %dma_wait3A_186, %dma_wait3A_187] : memref<16x1024x8xf32, #tpu.memory_space<vmem_shared>> -> memref<1x8x8xf32, #tpu.memory_space<vmem_shared>>
          %dma_wait3A_189 = tpu.memref_squeeze %dma_wait3A_188 : memref<1x8x8xf32, #tpu.memory_space<vmem_shared>> -> memref<8x8xf32, #tpu.memory_space<vmem_shared>>
          tpu.wait_dma2 semaphore(%run_scoped3A : memref<!tpu.dma_semaphore, #tpu.memory_space<semaphore_mem>>) src(%dma_wait3A_189 : memref<8x8xf32, #tpu.memory_space<vmem_shared>>) dst(%dma_wait3A_185 : memref<8x8xf32, #tpu.memory_space<vmem>>)
          tpu.yield
        }) : () -> ()
        "tpu.region"() ({
          %run_scoped3A = tpu.sem_alloc : memref<!tpu.dma_semaphore, #tpu.memory_space<semaphore_mem>>
          %dma_start3A_162 = arith.constant 0 : i32
          %dma_start3A_163 = arith.constant 0 : i32
          %dma_start3A_164 = tpu.memref_slice %arg9[%dma_start3A_162, %dma_start3A_163] : memref<2048x8xf32, #tpu.memory_space<vmem>> -> memref<16x8xf32, #tpu.memory_space<vmem>>
          %dma_start3A_165 = arith.constant 0 : i32
          %dma_start3A_166 = arith.constant 0 : i32
          %dma_start3A_167 = tpu.memref_slice %arg10[%arg1, %dma_start3A_165, %dma_start3A_166] : memref<16x1024x8xf32, #tpu.memory_space<vmem_shared>> -> memref<1x16x8xf32, #tpu.memory_space<vmem_shared>>
          %dma_start3A_168 = tpu.memref_squeeze %dma_start3A_167 : memref<1x16x8xf32, #tpu.memory_space<vmem_shared>> -> memref<16x8xf32, #tpu.memory_space<vmem_shared>>
          %dma_start3A_169 = arith.constant 0 : i32
          %dma_start3A_170 = arith.constant 0 : i32
          %dma_start3A_171 = tpu.memref_slice %arg10[%arg1, %dma_start3A_169, %dma_start3A_170] : memref<16x1024x8xf32, #tpu.memory_space<vmem_shared>> -> memref<1x16x8xf32, #tpu.memory_space<vmem_shared>>
          %dma_start3A_172 = tpu.memref_squeeze %dma_start3A_171 : memref<1x16x8xf32, #tpu.memory_space<vmem_shared>> -> memref<16x8xf32, #tpu.memory_space<vmem_shared>>
          %dma_start3A_173 = arith.constant 0 : i32
          %dma_start3A_174 = arith.constant 0 : i32
          %dma_start3A_175 = tpu.memref_slice %arg9[%dma_start3A_173, %dma_start3A_174] : memref<2048x8xf32, #tpu.memory_space<vmem>> -> memref<16x8xf32, #tpu.memory_space<vmem>>
          tpu.enqueue_dma source(%dma_start3A_175 : memref<16x8xf32, #tpu.memory_space<vmem>>) target(%dma_start3A_172 : memref<16x8xf32, #tpu.memory_space<vmem_shared>>) target_semaphore(%run_scoped3A : memref<!tpu.dma_semaphore, #tpu.memory_space<semaphore_mem>>)
          %dma_wait3A_176 = arith.constant 0 : i32
          %dma_wait3A_177 = arith.constant 0 : i32
          %dma_wait3A_178 = tpu.memref_slice %arg9[%dma_wait3A_176, %dma_wait3A_177] : memref<2048x8xf32, #tpu.memory_space<vmem>> -> memref<16x8xf32, #tpu.memory_space<vmem>>
          %dma_wait3A_179 = arith.constant 0 : i32
          %dma_wait3A_180 = arith.constant 0 : i32
          %dma_wait3A_181 = tpu.memref_slice %arg10[%arg1, %dma_wait3A_179, %dma_wait3A_180] : memref<16x1024x8xf32, #tpu.memory_space<vmem_shared>> -> memref<1x16x8xf32, #tpu.memory_space<vmem_shared>>
          %dma_wait3A_182 = tpu.memref_squeeze %dma_wait3A_181 : memref<1x16x8xf32, #tpu.memory_space<vmem_shared>> -> memref<16x8xf32, #tpu.memory_space<vmem_shared>>
          %dma_wait3A_183 = arith.constant 0 : i32
          %dma_wait3A_184 = arith.constant 0 : i32
          %dma_wait3A_185 = tpu.memref_slice %arg10[%arg1, %dma_wait3A_183, %dma_wait3A_184] : memref<16x1024x8xf32, #tpu.memory_space<vmem_shared>> -> memref<1x16x8xf32, #tpu.memory_space<vmem_shared>>
          %dma_wait3A_186 = tpu.memref_squeeze %dma_wait3A_185 : memref<1x16x8xf32, #tpu.memory_space<vmem_shared>> -> memref<16x8xf32, #tpu.memory_space<vmem_shared>>
          %dma_wait3A_187 = arith.constant 0 : i32
          %dma_wait3A_188 = arith.constant 0 : i32
          %dma_wait3A_189 = tpu.memref_slice %arg9[%dma_wait3A_187, %dma_wait3A_188] : memref<2048x8xf32, #tpu.memory_space<vmem>> -> memref<16x8xf32, #tpu.memory_space<vmem>>
          tpu.wait_dma2 semaphore(%run_scoped3A : memref<!tpu.dma_semaphore, #tpu.memory_space<semaphore_mem>>) src(%dma_wait3A_189 : memref<16x8xf32, #tpu.memory_space<vmem>>) dst(%dma_wait3A_186 : memref<16x8xf32, #tpu.memory_space<vmem_shared>>)
          tpu.yield
        }) : () -> ()
        "tpu.region"() ({
          %run_scoped3A = tpu.sem_alloc : memref<!tpu.dma_semaphore, #tpu.memory_space<semaphore_mem>>
          %dma_start3A_162 = arith.constant 16 : i32
          %dma_start3A_163 = arith.constant 0 : i32
          %dma_start3A_164 = tpu.memref_slice %arg9[%dma_start3A_162, %dma_start3A_163] : memref<2048x8xf32, #tpu.memory_space<vmem>> -> memref<16x8xf32, #tpu.memory_space<vmem>>
          %dma_start3A_165 = arith.constant 0 : i32
          %dma_start3A_166 = arith.constant 0 : i32
          %dma_start3A_167 = tpu.memref_slice %arg10[%arg1, %dma_start3A_165, %dma_start3A_166] : memref<16x1024x8xf32, #tpu.memory_space<vmem_shared>> -> memref<1x16x8xf32, #tpu.memory_space<vmem_shared>>
          %dma_start3A_168 = tpu.memref_squeeze %dma_start3A_167 : memref<1x16x8xf32, #tpu.memory_space<vmem_shared>> -> memref<16x8xf32, #tpu.memory_space<vmem_shared>>
          %dma_start3A_169 = arith.constant 16 : i32
          %dma_start3A_170 = arith.constant 0 : i32
          %dma_start3A_171 = tpu.memref_slice %arg9[%dma_start3A_169, %dma_start3A_170] : memref<2048x8xf32, #tpu.memory_space<vmem>> -> memref<16x8xf32, #tpu.memory_space<vmem>>
          %dma_start3A_172 = arith.constant 0 : i32
          %dma_start3A_173 = arith.constant 0 : i32
          %dma_start3A_174 = tpu.memref_slice %arg10[%arg1, %dma_start3A_172, %dma_start3A_173] : memref<16x1024x8xf32, #tpu.memory_space<vmem_shared>> -> memref<1x16x8xf32, #tpu.memory_space<vmem_shared>>
          %dma_start3A_175 = tpu.memref_squeeze %dma_start3A_174 : memref<1x16x8xf32, #tpu.memory_space<vmem_shared>> -> memref<16x8xf32, #tpu.memory_space<vmem_shared>>
          tpu.enqueue_dma source(%dma_start3A_175 : memref<16x8xf32, #tpu.memory_space<vmem_shared>>) target(%dma_start3A_171 : memref<16x8xf32, #tpu.memory_space<vmem>>) target_semaphore(%run_scoped3A : memref<!tpu.dma_semaphore, #tpu.memory_space<semaphore_mem>>)
          %dma_wait3A_176 = arith.constant 16 : i32
          %dma_wait3A_177 = arith.constant 0 : i32
          %dma_wait3A_178 = tpu.memref_slice %arg9[%dma_wait3A_176, %dma_wait3A_177] : memref<2048x8xf32, #tpu.memory_space<vmem>> -> memref<16x8xf32, #tpu.memory_space<vmem>>
          %dma_wait3A_179 = arith.constant 0 : i32
          %dma_wait3A_180 = arith.constant 0 : i32
          %dma_wait3A_181 = tpu.memref_slice %arg10[%arg1, %dma_wait3A_179, %dma_wait3A_180] : memref<16x1024x8xf32, #tpu.memory_space<vmem_shared>> -> memref<1x16x8xf32, #tpu.memory_space<vmem_shared>>
          %dma_wait3A_182 = tpu.memref_squeeze %dma_wait3A_181 : memref<1x16x8xf32, #tpu.memory_space<vmem_shared>> -> memref<16x8xf32, #tpu.memory_space<vmem_shared>>
          %dma_wait3A_183 = arith.constant 16 : i32
          %dma_wait3A_184 = arith.constant 0 : i32
          %dma_wait3A_185 = tpu.memref_slice %arg9[%dma_wait3A_183, %dma_wait3A_184] : memref<2048x8xf32, #tpu.memory_space<vmem>> -> memref<16x8xf32, #tpu.memory_space<vmem>>
          %dma_wait3A_186 = arith.constant 0 : i32
          %dma_wait3A_187 = arith.constant 0 : i32
          %dma_wait3A_188 = tpu.memref_slice %arg10[%arg1, %dma_wait3A_186, %dma_wait3A_187] : memref<16x1024x8xf32, #tpu.memory_space<vmem_shared>> -> memref<1x16x8xf32, #tpu.memory_space<vmem_shared>>
          %dma_wait3A_189 = tpu.memref_squeeze %dma_wait3A_188 : memref<1x16x8xf32, #tpu.memory_space<vmem_shared>> -> memref<16x8xf32, #tpu.memory_space<vmem_shared>>
          tpu.wait_dma2 semaphore(%run_scoped3A : memref<!tpu.dma_semaphore, #tpu.memory_space<semaphore_mem>>) src(%dma_wait3A_189 : memref<16x8xf32, #tpu.memory_space<vmem_shared>>) dst(%dma_wait3A_185 : memref<16x8xf32, #tpu.memory_space<vmem>>)
          tpu.yield
        }) : () -> ()
        "tpu.region"() ({
          %run_scoped3A = tpu.sem_alloc : memref<!tpu.dma_semaphore, #tpu.memory_space<semaphore_mem>>
          %dma_start3A_162 = arith.constant 0 : i32
          %dma_start3A_163 = arith.constant 0 : i32
          %dma_start3A_164 = tpu.memref_slice %arg9[%dma_start3A_162, %dma_start3A_163] : memref<2048x8xf32, #tpu.memory_space<vmem>> -> memref<32x8xf32, #tpu.memory_space<vmem>>
          %dma_start3A_165 = arith.constant 0 : i32
          %dma_start3A_166 = arith.constant 0 : i32
          %dma_start3A_167 = tpu.memref_slice %arg10[%arg1, %dma_start3A_165, %dma_start3A_166] : memref<16x1024x8xf32, #tpu.memory_space<vmem_shared>> -> memref<1x32x8xf32, #tpu.memory_space<vmem_shared>>
          %dma_start3A_168 = tpu.memref_squeeze %dma_start3A_167 : memref<1x32x8xf32, #tpu.memory_space<vmem_shared>> -> memref<32x8xf32, #tpu.memory_space<vmem_shared>>
          %dma_start3A_169 = arith.constant 0 : i32
          %dma_start3A_170 = arith.constant 0 : i32
          %dma_start3A_171 = tpu.memref_slice %arg10[%arg1, %dma_start3A_169, %dma_start3A_170] : memref<16x1024x8xf32, #tpu.memory_space<vmem_shared>> -> memref<1x32x8xf32, #tpu.memory_space<vmem_shared>>
          %dma_start3A_172 = tpu.memref_squeeze %dma_start3A_171 : memref<1x32x8xf32, #tpu.memory_space<vmem_shared>> -> memref<32x8xf32, #tpu.memory_space<vmem_shared>>
          %dma_start3A_173 = arith.constant 0 : i32
          %dma_start3A_174 = arith.constant 0 : i32
          %dma_start3A_175 = tpu.memref_slice %arg9[%dma_start3A_173, %dma_start3A_174] : memref<2048x8xf32, #tpu.memory_space<vmem>> -> memref<32x8xf32, #tpu.memory_space<vmem>>
          tpu.enqueue_dma source(%dma_start3A_175 : memref<32x8xf32, #tpu.memory_space<vmem>>) target(%dma_start3A_172 : memref<32x8xf32, #tpu.memory_space<vmem_shared>>) target_semaphore(%run_scoped3A : memref<!tpu.dma_semaphore, #tpu.memory_space<semaphore_mem>>)
          %dma_wait3A_176 = arith.constant 0 : i32
          %dma_wait3A_177 = arith.constant 0 : i32
          %dma_wait3A_178 = tpu.memref_slice %arg9[%dma_wait3A_176, %dma_wait3A_177] : memref<2048x8xf32, #tpu.memory_space<vmem>> -> memref<32x8xf32, #tpu.memory_space<vmem>>
          %dma_wait3A_179 = arith.constant 0 : i32
          %dma_wait3A_180 = arith.constant 0 : i32
          %dma_wait3A_181 = tpu.memref_slice %arg10[%arg1, %dma_wait3A_179, %dma_wait3A_180] : memref<16x1024x8xf32, #tpu.memory_space<vmem_shared>> -> memref<1x32x8xf32, #tpu.memory_space<vmem_shared>>
          %dma_wait3A_182 = tpu.memref_squeeze %dma_wait3A_181 : memref<1x32x8xf32, #tpu.memory_space<vmem_shared>> -> memref<32x8xf32, #tpu.memory_space<vmem_shared>>
          %dma_wait3A_183 = arith.constant 0 : i32
          %dma_wait3A_184 = arith.constant 0 : i32
          %dma_wait3A_185 = tpu.memref_slice %arg10[%arg1, %dma_wait3A_183, %dma_wait3A_184] : memref<16x1024x8xf32, #tpu.memory_space<vmem_shared>> -> memref<1x32x8xf32, #tpu.memory_space<vmem_shared>>
          %dma_wait3A_186 = tpu.memref_squeeze %dma_wait3A_185 : memref<1x32x8xf32, #tpu.memory_space<vmem_shared>> -> memref<32x8xf32, #tpu.memory_space<vmem_shared>>
          %dma_wait3A_187 = arith.constant 0 : i32
          %dma_wait3A_188 = arith.constant 0 : i32
          %dma_wait3A_189 = tpu.memref_slice %arg9[%dma_wait3A_187, %dma_wait3A_188] : memref<2048x8xf32, #tpu.memory_space<vmem>> -> memref<32x8xf32, #tpu.memory_space<vmem>>
          tpu.wait_dma2 semaphore(%run_scoped3A : memref<!tpu.dma_semaphore, #tpu.memory_space<semaphore_mem>>) src(%dma_wait3A_189 : memref<32x8xf32, #tpu.memory_space<vmem>>) dst(%dma_wait3A_186 : memref<32x8xf32, #tpu.memory_space<vmem_shared>>)
          tpu.yield
        }) : () -> ()
        "tpu.region"() ({
          %run_scoped3A = tpu.sem_alloc : memref<!tpu.dma_semaphore, #tpu.memory_space<semaphore_mem>>
          %dma_start3A_162 = arith.constant 32 : i32
          %dma_start3A_163 = arith.constant 0 : i32
          %dma_start3A_164 = tpu.memref_slice %arg9[%dma_start3A_162, %dma_start3A_163] : memref<2048x8xf32, #tpu.memory_space<vmem>> -> memref<32x8xf32, #tpu.memory_space<vmem>>
          %dma_start3A_165 = arith.constant 0 : i32
          %dma_start3A_166 = arith.constant 0 : i32
          %dma_start3A_167 = tpu.memref_slice %arg10[%arg1, %dma_start3A_165, %dma_start3A_166] : memref<16x1024x8xf32, #tpu.memory_space<vmem_shared>> -> memref<1x32x8xf32, #tpu.memory_space<vmem_shared>>
          %dma_start3A_168 = tpu.memref_squeeze %dma_start3A_167 : memref<1x32x8xf32, #tpu.memory_space<vmem_shared>> -> memref<32x8xf32, #tpu.memory_space<vmem_shared>>
          %dma_start3A_169 = arith.constant 32 : i32
          %dma_start3A_170 = arith.constant 0 : i32
          %dma_start3A_171 = tpu.memref_slice %arg9[%dma_start3A_169, %dma_start3A_170] : memref<2048x8xf32, #tpu.memory_space<vmem>> -> memref<32x8xf32, #tpu.memory_space<vmem>>
          %dma_start3A_172 = arith.constant 0 : i32
          %dma_start3A_173 = arith.constant 0 : i32
          %dma_start3A_174 = tpu.memref_slice %arg10[%arg1, %dma_start3A_172, %dma_start3A_173] : memref<16x1024x8xf32, #tpu.memory_space<vmem_shared>> -> memref<1x32x8xf32, #tpu.memory_space<vmem_shared>>
          %dma_start3A_175 = tpu.memref_squeeze %dma_start3A_174 : memref<1x32x8xf32, #tpu.memory_space<vmem_shared>> -> memref<32x8xf32, #tpu.memory_space<vmem_shared>>
          tpu.enqueue_dma source(%dma_start3A_175 : memref<32x8xf32, #tpu.memory_space<vmem_shared>>) target(%dma_start3A_171 : memref<32x8xf32, #tpu.memory_space<vmem>>) target_semaphore(%run_scoped3A : memref<!tpu.dma_semaphore, #tpu.memory_space<semaphore_mem>>)
          %dma_wait3A_176 = arith.constant 32 : i32
          %dma_wait3A_177 = arith.constant 0 : i32
          %dma_wait3A_178 = tpu.memref_slice %arg9[%dma_wait3A_176, %dma_wait3A_177] : memref<2048x8xf32, #tpu.memory_space<vmem>> -> memref<32x8xf32, #tpu.memory_space<vmem>>
          %dma_wait3A_179 = arith.constant 0 : i32
          %dma_wait3A_180 = arith.constant 0 : i32
          %dma_wait3A_181 = tpu.memref_slice %arg10[%arg1, %dma_wait3A_179, %dma_wait3A_180] : memref<16x1024x8xf32, #tpu.memory_space<vmem_shared>> -> memref<1x32x8xf32, #tpu.memory_space<vmem_shared>>
          %dma_wait3A_182 = tpu.memref_squeeze %dma_wait3A_181 : memref<1x32x8xf32, #tpu.memory_space<vmem_shared>> -> memref<32x8xf32, #tpu.memory_space<vmem_shared>>
          %dma_wait3A_183 = arith.constant 32 : i32
          %dma_wait3A_184 = arith.constant 0 : i32
          %dma_wait3A_185 = tpu.memref_slice %arg9[%dma_wait3A_183, %dma_wait3A_184] : memref<2048x8xf32, #tpu.memory_space<vmem>> -> memref<32x8xf32, #tpu.memory_space<vmem>>
          %dma_wait3A_186 = arith.constant 0 : i32
          %dma_wait3A_187 = arith.constant 0 : i32
          %dma_wait3A_188 = tpu.memref_slice %arg10[%arg1, %dma_wait3A_186, %dma_wait3A_187] : memref<16x1024x8xf32, #tpu.memory_space<vmem_shared>> -> memref<1x32x8xf32, #tpu.memory_space<vmem_shared>>
          %dma_wait3A_189 = tpu.memref_squeeze %dma_wait3A_188 : memref<1x32x8xf32, #tpu.memory_space<vmem_shared>> -> memref<32x8xf32, #tpu.memory_space<vmem_shared>>
          tpu.wait_dma2 semaphore(%run_scoped3A : memref<!tpu.dma_semaphore, #tpu.memory_space<semaphore_mem>>) src(%dma_wait3A_189 : memref<32x8xf32, #tpu.memory_space<vmem_shared>>) dst(%dma_wait3A_185 : memref<32x8xf32, #tpu.memory_space<vmem>>)
          tpu.yield
        }) : () -> ()
        "tpu.region"() ({
          %run_scoped3A = tpu.sem_alloc : memref<!tpu.dma_semaphore, #tpu.memory_space<semaphore_mem>>
          %dma_start3A_162 = arith.constant 0 : i32
          %dma_start3A_163 = arith.constant 0 : i32
          %dma_start3A_164 = tpu.memref_slice %arg9[%dma_start3A_162, %dma_start3A_163] : memref<2048x8xf32, #tpu.memory_space<vmem>> -> memref<64x8xf32, #tpu.memory_space<vmem>>
          %dma_start3A_165 = arith.constant 0 : i32
          %dma_start3A_166 = arith.constant 0 : i32
          %dma_start3A_167 = tpu.memref_slice %arg10[%arg1, %dma_start3A_165, %dma_start3A_166] : memref<16x1024x8xf32, #tpu.memory_space<vmem_shared>> -> memref<1x64x8xf32, #tpu.memory_space<vmem_shared>>
          %dma_start3A_168 = tpu.memref_squeeze %dma_start3A_167 : memref<1x64x8xf32, #tpu.memory_space<vmem_shared>> -> memref<64x8xf32, #tpu.memory_space<vmem_shared>>
          %dma_start3A_169 = arith.constant 0 : i32
          %dma_start3A_170 = arith.constant 0 : i32
          %dma_start3A_171 = tpu.memref_slice %arg10[%arg1, %dma_start3A_169, %dma_start3A_170] : memref<16x1024x8xf32, #tpu.memory_space<vmem_shared>> -> memref<1x64x8xf32, #tpu.memory_space<vmem_shared>>
          %dma_start3A_172 = tpu.memref_squeeze %dma_start3A_171 : memref<1x64x8xf32, #tpu.memory_space<vmem_shared>> -> memref<64x8xf32, #tpu.memory_space<vmem_shared>>
          %dma_start3A_173 = arith.constant 0 : i32
          %dma_start3A_174 = arith.constant 0 : i32
          %dma_start3A_175 = tpu.memref_slice %arg9[%dma_start3A_173, %dma_start3A_174] : memref<2048x8xf32, #tpu.memory_space<vmem>> -> memref<64x8xf32, #tpu.memory_space<vmem>>
          tpu.enqueue_dma source(%dma_start3A_175 : memref<64x8xf32, #tpu.memory_space<vmem>>) target(%dma_start3A_172 : memref<64x8xf32, #tpu.memory_space<vmem_shared>>) target_semaphore(%run_scoped3A : memref<!tpu.dma_semaphore, #tpu.memory_space<semaphore_mem>>)
          %dma_wait3A_176 = arith.constant 0 : i32
          %dma_wait3A_177 = arith.constant 0 : i32
          %dma_wait3A_178 = tpu.memref_slice %arg9[%dma_wait3A_176, %dma_wait3A_177] : memref<2048x8xf32, #tpu.memory_space<vmem>> -> memref<64x8xf32, #tpu.memory_space<vmem>>
          %dma_wait3A_179 = arith.constant 0 : i32
          %dma_wait3A_180 = arith.constant 0 : i32
          %dma_wait3A_181 = tpu.memref_slice %arg10[%arg1, %dma_wait3A_179, %dma_wait3A_180] : memref<16x1024x8xf32, #tpu.memory_space<vmem_shared>> -> memref<1x64x8xf32, #tpu.memory_space<vmem_shared>>
          %dma_wait3A_182 = tpu.memref_squeeze %dma_wait3A_181 : memref<1x64x8xf32, #tpu.memory_space<vmem_shared>> -> memref<64x8xf32, #tpu.memory_space<vmem_shared>>
          %dma_wait3A_183 = arith.constant 0 : i32
          %dma_wait3A_184 = arith.constant 0 : i32
          %dma_wait3A_185 = tpu.memref_slice %arg10[%arg1, %dma_wait3A_183, %dma_wait3A_184] : memref<16x1024x8xf32, #tpu.memory_space<vmem_shared>> -> memref<1x64x8xf32, #tpu.memory_space<vmem_shared>>
          %dma_wait3A_186 = tpu.memref_squeeze %dma_wait3A_185 : memref<1x64x8xf32, #tpu.memory_space<vmem_shared>> -> memref<64x8xf32, #tpu.memory_space<vmem_shared>>
          %dma_wait3A_187 = arith.constant 0 : i32
          %dma_wait3A_188 = arith.constant 0 : i32
          %dma_wait3A_189 = tpu.memref_slice %arg9[%dma_wait3A_187, %dma_wait3A_188] : memref<2048x8xf32, #tpu.memory_space<vmem>> -> memref<64x8xf32, #tpu.memory_space<vmem>>
          tpu.wait_dma2 semaphore(%run_scoped3A : memref<!tpu.dma_semaphore, #tpu.memory_space<semaphore_mem>>) src(%dma_wait3A_189 : memref<64x8xf32, #tpu.memory_space<vmem>>) dst(%dma_wait3A_186 : memref<64x8xf32, #tpu.memory_space<vmem_shared>>)
          tpu.yield
        }) : () -> ()
        "tpu.region"() ({
          %run_scoped3A = tpu.sem_alloc : memref<!tpu.dma_semaphore, #tpu.memory_space<semaphore_mem>>
          %dma_start3A_162 = arith.constant 64 : i32
          %dma_start3A_163 = arith.constant 0 : i32
          %dma_start3A_164 = tpu.memref_slice %arg9[%dma_start3A_162, %dma_start3A_163] : memref<2048x8xf32, #tpu.memory_space<vmem>> -> memref<64x8xf32, #tpu.memory_space<vmem>>
          %dma_start3A_165 = arith.constant 0 : i32
          %dma_start3A_166 = arith.constant 0 : i32
          %dma_start3A_167 = tpu.memref_slice %arg10[%arg1, %dma_start3A_165, %dma_start3A_166] : memref<16x1024x8xf32, #tpu.memory_space<vmem_shared>> -> memref<1x64x8xf32, #tpu.memory_space<vmem_shared>>
          %dma_start3A_168 = tpu.memref_squeeze %dma_start3A_167 : memref<1x64x8xf32, #tpu.memory_space<vmem_shared>> -> memref<64x8xf32, #tpu.memory_space<vmem_shared>>
          %dma_start3A_169 = arith.constant 64 : i32
          %dma_start3A_170 = arith.constant 0 : i32
          %dma_start3A_171 = tpu.memref_slice %arg9[%dma_start3A_169, %dma_start3A_170] : memref<2048x8xf32, #tpu.memory_space<vmem>> -> memref<64x8xf32, #tpu.memory_space<vmem>>
          %dma_start3A_172 = arith.constant 0 : i32
          %dma_start3A_173 = arith.constant 0 : i32
          %dma_start3A_174 = tpu.memref_slice %arg10[%arg1, %dma_start3A_172, %dma_start3A_173] : memref<16x1024x8xf32, #tpu.memory_space<vmem_shared>> -> memref<1x64x8xf32, #tpu.memory_space<vmem_shared>>
          %dma_start3A_175 = tpu.memref_squeeze %dma_start3A_174 : memref<1x64x8xf32, #tpu.memory_space<vmem_shared>> -> memref<64x8xf32, #tpu.memory_space<vmem_shared>>
          tpu.enqueue_dma source(%dma_start3A_175 : memref<64x8xf32, #tpu.memory_space<vmem_shared>>) target(%dma_start3A_171 : memref<64x8xf32, #tpu.memory_space<vmem>>) target_semaphore(%run_scoped3A : memref<!tpu.dma_semaphore, #tpu.memory_space<semaphore_mem>>)
          %dma_wait3A_176 = arith.constant 64 : i32
          %dma_wait3A_177 = arith.constant 0 : i32
          %dma_wait3A_178 = tpu.memref_slice %arg9[%dma_wait3A_176, %dma_wait3A_177] : memref<2048x8xf32, #tpu.memory_space<vmem>> -> memref<64x8xf32, #tpu.memory_space<vmem>>
          %dma_wait3A_179 = arith.constant 0 : i32
          %dma_wait3A_180 = arith.constant 0 : i32
          %dma_wait3A_181 = tpu.memref_slice %arg10[%arg1, %dma_wait3A_179, %dma_wait3A_180] : memref<16x1024x8xf32, #tpu.memory_space<vmem_shared>> -> memref<1x64x8xf32, #tpu.memory_space<vmem_shared>>
          %dma_wait3A_182 = tpu.memref_squeeze %dma_wait3A_181 : memref<1x64x8xf32, #tpu.memory_space<vmem_shared>> -> memref<64x8xf32, #tpu.memory_space<vmem_shared>>
          %dma_wait3A_183 = arith.constant 64 : i32
          %dma_wait3A_184 = arith.constant 0 : i32
          %dma_wait3A_185 = tpu.memref_slice %arg9[%dma_wait3A_183, %dma_wait3A_184] : memref<2048x8xf32, #tpu.memory_space<vmem>> -> memref<64x8xf32, #tpu.memory_space<vmem>>
          %dma_wait3A_186 = arith.constant 0 : i32
          %dma_wait3A_187 = arith.constant 0 : i32
          %dma_wait3A_188 = tpu.memref_slice %arg10[%arg1, %dma_wait3A_186, %dma_wait3A_187] : memref<16x1024x8xf32, #tpu.memory_space<vmem_shared>> -> memref<1x64x8xf32, #tpu.memory_space<vmem_shared>>
          %dma_wait3A_189 = tpu.memref_squeeze %dma_wait3A_188 : memref<1x64x8xf32, #tpu.memory_space<vmem_shared>> -> memref<64x8xf32, #tpu.memory_space<vmem_shared>>
          tpu.wait_dma2 semaphore(%run_scoped3A : memref<!tpu.dma_semaphore, #tpu.memory_space<semaphore_mem>>) src(%dma_wait3A_189 : memref<64x8xf32, #tpu.memory_space<vmem_shared>>) dst(%dma_wait3A_185 : memref<64x8xf32, #tpu.memory_space<vmem>>)
          tpu.yield
        }) : () -> ()
        "tpu.region"() ({
          %run_scoped3A = tpu.sem_alloc : memref<!tpu.dma_semaphore, #tpu.memory_space<semaphore_mem>>
          %dma_start3A_162 = arith.constant 0 : i32
          %dma_start3A_163 = arith.constant 0 : i32
          %dma_start3A_164 = tpu.memref_slice %arg9[%dma_start3A_162, %dma_start3A_163] : memref<2048x8xf32, #tpu.memory_space<vmem>> -> memref<128x8xf32, #tpu.memory_space<vmem>>
          %dma_start3A_165 = arith.constant 0 : i32
          %dma_start3A_166 = arith.constant 0 : i32
          %dma_start3A_167 = tpu.memref_slice %arg10[%arg1, %dma_start3A_165, %dma_start3A_166] : memref<16x1024x8xf32, #tpu.memory_space<vmem_shared>> -> memref<1x128x8xf32, #tpu.memory_space<vmem_shared>>
          %dma_start3A_168 = tpu.memref_squeeze %dma_start3A_167 : memref<1x128x8xf32, #tpu.memory_space<vmem_shared>> -> memref<128x8xf32, #tpu.memory_space<vmem_shared>>
          %dma_start3A_169 = arith.constant 0 : i32
          %dma_start3A_170 = arith.constant 0 : i32
          %dma_start3A_171 = tpu.memref_slice %arg10[%arg1, %dma_start3A_169, %dma_start3A_170] : memref<16x1024x8xf32, #tpu.memory_space<vmem_shared>> -> memref<1x128x8xf32, #tpu.memory_space<vmem_shared>>
          %dma_start3A_172 = tpu.memref_squeeze %dma_start3A_171 : memref<1x128x8xf32, #tpu.memory_space<vmem_shared>> -> memref<128x8xf32, #tpu.memory_space<vmem_shared>>
          %dma_start3A_173 = arith.constant 0 : i32
          %dma_start3A_174 = arith.constant 0 : i32
          %dma_start3A_175 = tpu.memref_slice %arg9[%dma_start3A_173, %dma_start3A_174] : memref<2048x8xf32, #tpu.memory_space<vmem>> -> memref<128x8xf32, #tpu.memory_space<vmem>>
          tpu.enqueue_dma source(%dma_start3A_175 : memref<128x8xf32, #tpu.memory_space<vmem>>) target(%dma_start3A_172 : memref<128x8xf32, #tpu.memory_space<vmem_shared>>) target_semaphore(%run_scoped3A : memref<!tpu.dma_semaphore, #tpu.memory_space<semaphore_mem>>)
          %dma_wait3A_176 = arith.constant 0 : i32
          %dma_wait3A_177 = arith.constant 0 : i32
          %dma_wait3A_178 = tpu.memref_slice %arg9[%dma_wait3A_176, %dma_wait3A_177] : memref<2048x8xf32, #tpu.memory_space<vmem>> -> memref<128x8xf32, #tpu.memory_space<vmem>>
          %dma_wait3A_179 = arith.constant 0 : i32
          %dma_wait3A_180 = arith.constant 0 : i32
          %dma_wait3A_181 = tpu.memref_slice %arg10[%arg1, %dma_wait3A_179, %dma_wait3A_180] : memref<16x1024x8xf32, #tpu.memory_space<vmem_shared>> -> memref<1x128x8xf32, #tpu.memory_space<vmem_shared>>
          %dma_wait3A_182 = tpu.memref_squeeze %dma_wait3A_181 : memref<1x128x8xf32, #tpu.memory_space<vmem_shared>> -> memref<128x8xf32, #tpu.memory_space<vmem_shared>>
          %dma_wait3A_183 = arith.constant 0 : i32
          %dma_wait3A_184 = arith.constant 0 : i32
          %dma_wait3A_185 = tpu.memref_slice %arg10[%arg1, %dma_wait3A_183, %dma_wait3A_184] : memref<16x1024x8xf32, #tpu.memory_space<vmem_shared>> -> memref<1x128x8xf32, #tpu.memory_space<vmem_shared>>
          %dma_wait3A_186 = tpu.memref_squeeze %dma_wait3A_185 : memref<1x128x8xf32, #tpu.memory_space<vmem_shared>> -> memref<128x8xf32, #tpu.memory_space<vmem_shared>>
          %dma_wait3A_187 = arith.constant 0 : i32
          %dma_wait3A_188 = arith.constant 0 : i32
          %dma_wait3A_189 = tpu.memref_slice %arg9[%dma_wait3A_187, %dma_wait3A_188] : memref<2048x8xf32, #tpu.memory_space<vmem>> -> memref<128x8xf32, #tpu.memory_space<vmem>>
          tpu.wait_dma2 semaphore(%run_scoped3A : memref<!tpu.dma_semaphore, #tpu.memory_space<semaphore_mem>>) src(%dma_wait3A_189 : memref<128x8xf32, #tpu.memory_space<vmem>>) dst(%dma_wait3A_186 : memref<128x8xf32, #tpu.memory_space<vmem_shared>>)
          tpu.yield
        }) : () -> ()
        "tpu.region"() ({
          %run_scoped3A = tpu.sem_alloc : memref<!tpu.dma_semaphore, #tpu.memory_space<semaphore_mem>>
          %dma_start3A_162 = arith.constant 128 : i32
          %dma_start3A_163 = arith.constant 0 : i32
          %dma_start3A_164 = tpu.memref_slice %arg9[%dma_start3A_162, %dma_start3A_163] : memref<2048x8xf32, #tpu.memory_space<vmem>> -> memref<128x8xf32, #tpu.memory_space<vmem>>
          %dma_start3A_165 = arith.constant 0 : i32
          %dma_start3A_166 = arith.constant 0 : i32
          %dma_start3A_167 = tpu.memref_slice %arg10[%arg1, %dma_start3A_165, %dma_start3A_166] : memref<16x1024x8xf32, #tpu.memory_space<vmem_shared>> -> memref<1x128x8xf32, #tpu.memory_space<vmem_shared>>
          %dma_start3A_168 = tpu.memref_squeeze %dma_start3A_167 : memref<1x128x8xf32, #tpu.memory_space<vmem_shared>> -> memref<128x8xf32, #tpu.memory_space<vmem_shared>>
          %dma_start3A_169 = arith.constant 128 : i32
          %dma_start3A_170 = arith.constant 0 : i32
          %dma_start3A_171 = tpu.memref_slice %arg9[%dma_start3A_169, %dma_start3A_170] : memref<2048x8xf32, #tpu.memory_space<vmem>> -> memref<128x8xf32, #tpu.memory_space<vmem>>
          %dma_start3A_172 = arith.constant 0 : i32
          %dma_start3A_173 = arith.constant 0 : i32
          %dma_start3A_174 = tpu.memref_slice %arg10[%arg1, %dma_start3A_172, %dma_start3A_173] : memref<16x1024x8xf32, #tpu.memory_space<vmem_shared>> -> memref<1x128x8xf32, #tpu.memory_space<vmem_shared>>
          %dma_start3A_175 = tpu.memref_squeeze %dma_start3A_174 : memref<1x128x8xf32, #tpu.memory_space<vmem_shared>> -> memref<128x8xf32, #tpu.memory_space<vmem_shared>>
          tpu.enqueue_dma source(%dma_start3A_175 : memref<128x8xf32, #tpu.memory_space<vmem_shared>>) target(%dma_start3A_171 : memref<128x8xf32, #tpu.memory_space<vmem>>) target_semaphore(%run_scoped3A : memref<!tpu.dma_semaphore, #tpu.memory_space<semaphore_mem>>)
          %dma_wait3A_176 = arith.constant 128 : i32
          %dma_wait3A_177 = arith.constant 0 : i32
          %dma_wait3A_178 = tpu.memref_slice %arg9[%dma_wait3A_176, %dma_wait3A_177] : memref<2048x8xf32, #tpu.memory_space<vmem>> -> memref<128x8xf32, #tpu.memory_space<vmem>>
          %dma_wait3A_179 = arith.constant 0 : i32
          %dma_wait3A_180 = arith.constant 0 : i32
          %dma_wait3A_181 = tpu.memref_slice %arg10[%arg1, %dma_wait3A_179, %dma_wait3A_180] : memref<16x1024x8xf32, #tpu.memory_space<vmem_shared>> -> memref<1x128x8xf32, #tpu.memory_space<vmem_shared>>
          %dma_wait3A_182 = tpu.memref_squeeze %dma_wait3A_181 : memref<1x128x8xf32, #tpu.memory_space<vmem_shared>> -> memref<128x8xf32, #tpu.memory_space<vmem_shared>>
          %dma_wait3A_183 = arith.constant 128 : i32
          %dma_wait3A_184 = arith.constant 0 : i32
          %dma_wait3A_185 = tpu.memref_slice %arg9[%dma_wait3A_183, %dma_wait3A_184] : memref<2048x8xf32, #tpu.memory_space<vmem>> -> memref<128x8xf32, #tpu.memory_space<vmem>>
          %dma_wait3A_186 = arith.constant 0 : i32
          %dma_wait3A_187 = arith.constant 0 : i32
          %dma_wait3A_188 = tpu.memref_slice %arg10[%arg1, %dma_wait3A_186, %dma_wait3A_187] : memref<16x1024x8xf32, #tpu.memory_space<vmem_shared>> -> memref<1x128x8xf32, #tpu.memory_space<vmem_shared>>
          %dma_wait3A_189 = tpu.memref_squeeze %dma_wait3A_188 : memref<1x128x8xf32, #tpu.memory_space<vmem_shared>> -> memref<128x8xf32, #tpu.memory_space<vmem_shared>>
          tpu.wait_dma2 semaphore(%run_scoped3A : memref<!tpu.dma_semaphore, #tpu.memory_space<semaphore_mem>>) src(%dma_wait3A_189 : memref<128x8xf32, #tpu.memory_space<vmem_shared>>) dst(%dma_wait3A_185 : memref<128x8xf32, #tpu.memory_space<vmem>>)
          tpu.yield
        }) : () -> ()
        "tpu.region"() ({
          %run_scoped3A = tpu.sem_alloc : memref<!tpu.dma_semaphore, #tpu.memory_space<semaphore_mem>>
          %dma_start3A_162 = arith.constant 0 : i32
          %dma_start3A_163 = arith.constant 0 : i32
          %dma_start3A_164 = tpu.memref_slice %arg9[%dma_start3A_162, %dma_start3A_163] : memref<2048x8xf32, #tpu.memory_space<vmem>> -> memref<256x8xf32, #tpu.memory_space<vmem>>
          %dma_start3A_165 = arith.constant 0 : i32
          %dma_start3A_166 = arith.constant 0 : i32
          %dma_start3A_167 = tpu.memref_slice %arg10[%arg1, %dma_start3A_165, %dma_start3A_166] : memref<16x1024x8xf32, #tpu.memory_space<vmem_shared>> -> memref<1x256x8xf32, #tpu.memory_space<vmem_shared>>
          %dma_start3A_168 = tpu.memref_squeeze %dma_start3A_167 : memref<1x256x8xf32, #tpu.memory_space<vmem_shared>> -> memref<256x8xf32, #tpu.memory_space<vmem_shared>>
          %dma_start3A_169 = arith.constant 0 : i32
          %dma_start3A_170 = arith.constant 0 : i32
          %dma_start3A_171 = tpu.memref_slice %arg10[%arg1, %dma_start3A_169, %dma_start3A_170] : memref<16x1024x8xf32, #tpu.memory_space<vmem_shared>> -> memref<1x256x8xf32, #tpu.memory_space<vmem_shared>>
          %dma_start3A_172 = tpu.memref_squeeze %dma_start3A_171 : memref<1x256x8xf32, #tpu.memory_space<vmem_shared>> -> memref<256x8xf32, #tpu.memory_space<vmem_shared>>
          %dma_start3A_173 = arith.constant 0 : i32
          %dma_start3A_174 = arith.constant 0 : i32
          %dma_start3A_175 = tpu.memref_slice %arg9[%dma_start3A_173, %dma_start3A_174] : memref<2048x8xf32, #tpu.memory_space<vmem>> -> memref<256x8xf32, #tpu.memory_space<vmem>>
          tpu.enqueue_dma source(%dma_start3A_175 : memref<256x8xf32, #tpu.memory_space<vmem>>) target(%dma_start3A_172 : memref<256x8xf32, #tpu.memory_space<vmem_shared>>) target_semaphore(%run_scoped3A : memref<!tpu.dma_semaphore, #tpu.memory_space<semaphore_mem>>)
          %dma_wait3A_176 = arith.constant 0 : i32
          %dma_wait3A_177 = arith.constant 0 : i32
          %dma_wait3A_178 = tpu.memref_slice %arg9[%dma_wait3A_176, %dma_wait3A_177] : memref<2048x8xf32, #tpu.memory_space<vmem>> -> memref<256x8xf32, #tpu.memory_space<vmem>>
          %dma_wait3A_179 = arith.constant 0 : i32
          %dma_wait3A_180 = arith.constant 0 : i32
          %dma_wait3A_181 = tpu.memref_slice %arg10[%arg1, %dma_wait3A_179, %dma_wait3A_180] : memref<16x1024x8xf32, #tpu.memory_space<vmem_shared>> -> memref<1x256x8xf32, #tpu.memory_space<vmem_shared>>
          %dma_wait3A_182 = tpu.memref_squeeze %dma_wait3A_181 : memref<1x256x8xf32, #tpu.memory_space<vmem_shared>> -> memref<256x8xf32, #tpu.memory_space<vmem_shared>>
          %dma_wait3A_183 = arith.constant 0 : i32
          %dma_wait3A_184 = arith.constant 0 : i32
          %dma_wait3A_185 = tpu.memref_slice %arg10[%arg1, %dma_wait3A_183, %dma_wait3A_184] : memref<16x1024x8xf32, #tpu.memory_space<vmem_shared>> -> memref<1x256x8xf32, #tpu.memory_space<vmem_shared>>
          %dma_wait3A_186 = tpu.memref_squeeze %dma_wait3A_185 : memref<1x256x8xf32, #tpu.memory_space<vmem_shared>> -> memref<256x8xf32, #tpu.memory_space<vmem_shared>>
          %dma_wait3A_187 = arith.constant 0 : i32
          %dma_wait3A_188 = arith.constant 0 : i32
          %dma_wait3A_189 = tpu.memref_slice %arg9[%dma_wait3A_187, %dma_wait3A_188] : memref<2048x8xf32, #tpu.memory_space<vmem>> -> memref<256x8xf32, #tpu.memory_space<vmem>>
          tpu.wait_dma2 semaphore(%run_scoped3A : memref<!tpu.dma_semaphore, #tpu.memory_space<semaphore_mem>>) src(%dma_wait3A_189 : memref<256x8xf32, #tpu.memory_space<vmem>>) dst(%dma_wait3A_186 : memref<256x8xf32, #tpu.memory_space<vmem_shared>>)
          tpu.yield
        }) : () -> ()
        "tpu.region"() ({
          %run_scoped3A = tpu.sem_alloc : memref<!tpu.dma_semaphore, #tpu.memory_space<semaphore_mem>>
          %dma_start3A_162 = arith.constant 256 : i32
          %dma_start3A_163 = arith.constant 0 : i32
          %dma_start3A_164 = tpu.memref_slice %arg9[%dma_start3A_162, %dma_start3A_163] : memref<2048x8xf32, #tpu.memory_space<vmem>> -> memref<256x8xf32, #tpu.memory_space<vmem>>
          %dma_start3A_165 = arith.constant 0 : i32
          %dma_start3A_166 = arith.constant 0 : i32
          %dma_start3A_167 = tpu.memref_slice %arg10[%arg1, %dma_start3A_165, %dma_start3A_166] : memref<16x1024x8xf32, #tpu.memory_space<vmem_shared>> -> memref<1x256x8xf32, #tpu.memory_space<vmem_shared>>
          %dma_start3A_168 = tpu.memref_squeeze %dma_start3A_167 : memref<1x256x8xf32, #tpu.memory_space<vmem_shared>> -> memref<256x8xf32, #tpu.memory_space<vmem_shared>>
          %dma_start3A_169 = arith.constant 256 : i32
          %dma_start3A_170 = arith.constant 0 : i32
          %dma_start3A_171 = tpu.memref_slice %arg9[%dma_start3A_169, %dma_start3A_170] : memref<2048x8xf32, #tpu.memory_space<vmem>> -> memref<256x8xf32, #tpu.memory_space<vmem>>
          %dma_start3A_172 = arith.constant 0 : i32
          %dma_start3A_173 = arith.constant 0 : i32
          %dma_start3A_174 = tpu.memref_slice %arg10[%arg1, %dma_start3A_172, %dma_start3A_173] : memref<16x1024x8xf32, #tpu.memory_space<vmem_shared>> -> memref<1x256x8xf32, #tpu.memory_space<vmem_shared>>
          %dma_start3A_175 = tpu.memref_squeeze %dma_start3A_174 : memref<1x256x8xf32, #tpu.memory_space<vmem_shared>> -> memref<256x8xf32, #tpu.memory_space<vmem_shared>>
          tpu.enqueue_dma source(%dma_start3A_175 : memref<256x8xf32, #tpu.memory_space<vmem_shared>>) target(%dma_start3A_171 : memref<256x8xf32, #tpu.memory_space<vmem>>) target_semaphore(%run_scoped3A : memref<!tpu.dma_semaphore, #tpu.memory_space<semaphore_mem>>)
          %dma_wait3A_176 = arith.constant 256 : i32
          %dma_wait3A_177 = arith.constant 0 : i32
          %dma_wait3A_178 = tpu.memref_slice %arg9[%dma_wait3A_176, %dma_wait3A_177] : memref<2048x8xf32, #tpu.memory_space<vmem>> -> memref<256x8xf32, #tpu.memory_space<vmem>>
          %dma_wait3A_179 = arith.constant 0 : i32
          %dma_wait3A_180 = arith.constant 0 : i32
          %dma_wait3A_181 = tpu.memref_slice %arg10[%arg1, %dma_wait3A_179, %dma_wait3A_180] : memref<16x1024x8xf32, #tpu.memory_space<vmem_shared>> -> memref<1x256x8xf32, #tpu.memory_space<vmem_shared>>
          %dma_wait3A_182 = tpu.memref_squeeze %dma_wait3A_181 : memref<1x256x8xf32, #tpu.memory_space<vmem_shared>> -> memref<256x8xf32, #tpu.memory_space<vmem_shared>>
          %dma_wait3A_183 = arith.constant 256 : i32
          %dma_wait3A_184 = arith.constant 0 : i32
          %dma_wait3A_185 = tpu.memref_slice %arg9[%dma_wait3A_183, %dma_wait3A_184] : memref<2048x8xf32, #tpu.memory_space<vmem>> -> memref<256x8xf32, #tpu.memory_space<vmem>>
          %dma_wait3A_186 = arith.constant 0 : i32
          %dma_wait3A_187 = arith.constant 0 : i32
          %dma_wait3A_188 = tpu.memref_slice %arg10[%arg1, %dma_wait3A_186, %dma_wait3A_187] : memref<16x1024x8xf32, #tpu.memory_space<vmem_shared>> -> memref<1x256x8xf32, #tpu.memory_space<vmem_shared>>
          %dma_wait3A_189 = tpu.memref_squeeze %dma_wait3A_188 : memref<1x256x8xf32, #tpu.memory_space<vmem_shared>> -> memref<256x8xf32, #tpu.memory_space<vmem_shared>>
          tpu.wait_dma2 semaphore(%run_scoped3A : memref<!tpu.dma_semaphore, #tpu.memory_space<semaphore_mem>>) src(%dma_wait3A_189 : memref<256x8xf32, #tpu.memory_space<vmem_shared>>) dst(%dma_wait3A_185 : memref<256x8xf32, #tpu.memory_space<vmem>>)
          tpu.yield
        }) : () -> ()
        "tpu.region"() ({
          %run_scoped3A = tpu.sem_alloc : memref<!tpu.dma_semaphore, #tpu.memory_space<semaphore_mem>>
          %dma_start3A_162 = arith.constant 0 : i32
          %dma_start3A_163 = arith.constant 0 : i32
          %dma_start3A_164 = tpu.memref_slice %arg9[%dma_start3A_162, %dma_start3A_163] : memref<2048x8xf32, #tpu.memory_space<vmem>> -> memref<512x8xf32, #tpu.memory_space<vmem>>
          %dma_start3A_165 = arith.constant 0 : i32
          %dma_start3A_166 = arith.constant 0 : i32
          %dma_start3A_167 = tpu.memref_slice %arg10[%arg1, %dma_start3A_165, %dma_start3A_166] : memref<16x1024x8xf32, #tpu.memory_space<vmem_shared>> -> memref<1x512x8xf32, #tpu.memory_space<vmem_shared>>
          %dma_start3A_168 = tpu.memref_squeeze %dma_start3A_167 : memref<1x512x8xf32, #tpu.memory_space<vmem_shared>> -> memref<512x8xf32, #tpu.memory_space<vmem_shared>>
          %dma_start3A_169 = arith.constant 0 : i32
          %dma_start3A_170 = arith.constant 0 : i32
          %dma_start3A_171 = tpu.memref_slice %arg10[%arg1, %dma_start3A_169, %dma_start3A_170] : memref<16x1024x8xf32, #tpu.memory_space<vmem_shared>> -> memref<1x512x8xf32, #tpu.memory_space<vmem_shared>>
          %dma_start3A_172 = tpu.memref_squeeze %dma_start3A_171 : memref<1x512x8xf32, #tpu.memory_space<vmem_shared>> -> memref<512x8xf32, #tpu.memory_space<vmem_shared>>
          %dma_start3A_173 = arith.constant 0 : i32
          %dma_start3A_174 = arith.constant 0 : i32
          %dma_start3A_175 = tpu.memref_slice %arg9[%dma_start3A_173, %dma_start3A_174] : memref<2048x8xf32, #tpu.memory_space<vmem>> -> memref<512x8xf32, #tpu.memory_space<vmem>>
          tpu.enqueue_dma source(%dma_start3A_175 : memref<512x8xf32, #tpu.memory_space<vmem>>) target(%dma_start3A_172 : memref<512x8xf32, #tpu.memory_space<vmem_shared>>) target_semaphore(%run_scoped3A : memref<!tpu.dma_semaphore, #tpu.memory_space<semaphore_mem>>)
          %dma_wait3A_176 = arith.constant 0 : i32
          %dma_wait3A_177 = arith.constant 0 : i32
          %dma_wait3A_178 = tpu.memref_slice %arg9[%dma_wait3A_176, %dma_wait3A_177] : memref<2048x8xf32, #tpu.memory_space<vmem>> -> memref<512x8xf32, #tpu.memory_space<vmem>>
          %dma_wait3A_179 = arith.constant 0 : i32
          %dma_wait3A_180 = arith.constant 0 : i32
          %dma_wait3A_181 = tpu.memref_slice %arg10[%arg1, %dma_wait3A_179, %dma_wait3A_180] : memref<16x1024x8xf32, #tpu.memory_space<vmem_shared>> -> memref<1x512x8xf32, #tpu.memory_space<vmem_shared>>
          %dma_wait3A_182 = tpu.memref_squeeze %dma_wait3A_181 : memref<1x512x8xf32, #tpu.memory_space<vmem_shared>> -> memref<512x8xf32, #tpu.memory_space<vmem_shared>>
          %dma_wait3A_183 = arith.constant 0 : i32
          %dma_wait3A_184 = arith.constant 0 : i32
          %dma_wait3A_185 = tpu.memref_slice %arg10[%arg1, %dma_wait3A_183, %dma_wait3A_184] : memref<16x1024x8xf32, #tpu.memory_space<vmem_shared>> -> memref<1x512x8xf32, #tpu.memory_space<vmem_shared>>
          %dma_wait3A_186 = tpu.memref_squeeze %dma_wait3A_185 : memref<1x512x8xf32, #tpu.memory_space<vmem_shared>> -> memref<512x8xf32, #tpu.memory_space<vmem_shared>>
          %dma_wait3A_187 = arith.constant 0 : i32
          %dma_wait3A_188 = arith.constant 0 : i32
          %dma_wait3A_189 = tpu.memref_slice %arg9[%dma_wait3A_187, %dma_wait3A_188] : memref<2048x8xf32, #tpu.memory_space<vmem>> -> memref<512x8xf32, #tpu.memory_space<vmem>>
          tpu.wait_dma2 semaphore(%run_scoped3A : memref<!tpu.dma_semaphore, #tpu.memory_space<semaphore_mem>>) src(%dma_wait3A_189 : memref<512x8xf32, #tpu.memory_space<vmem>>) dst(%dma_wait3A_186 : memref<512x8xf32, #tpu.memory_space<vmem_shared>>)
          tpu.yield
        }) : () -> ()
        "tpu.region"() ({
          %run_scoped3A = tpu.sem_alloc : memref<!tpu.dma_semaphore, #tpu.memory_space<semaphore_mem>>
          %dma_start3A_162 = arith.constant 512 : i32
          %dma_start3A_163 = arith.constant 0 : i32
          %dma_start3A_164 = tpu.memref_slice %arg9[%dma_start3A_162, %dma_start3A_163] : memref<2048x8xf32, #tpu.memory_space<vmem>> -> memref<512x8xf32, #tpu.memory_space<vmem>>
          %dma_start3A_165 = arith.constant 0 : i32
          %dma_start3A_166 = arith.constant 0 : i32
          %dma_start3A_167 = tpu.memref_slice %arg10[%arg1, %dma_start3A_165, %dma_start3A_166] : memref<16x1024x8xf32, #tpu.memory_space<vmem_shared>> -> memref<1x512x8xf32, #tpu.memory_space<vmem_shared>>
          %dma_start3A_168 = tpu.memref_squeeze %dma_start3A_167 : memref<1x512x8xf32, #tpu.memory_space<vmem_shared>> -> memref<512x8xf32, #tpu.memory_space<vmem_shared>>
          %dma_start3A_169 = arith.constant 512 : i32
          %dma_start3A_170 = arith.constant 0 : i32
          %dma_start3A_171 = tpu.memref_slice %arg9[%dma_start3A_169, %dma_start3A_170] : memref<2048x8xf32, #tpu.memory_space<vmem>> -> memref<512x8xf32, #tpu.memory_space<vmem>>
          %dma_start3A_172 = arith.constant 0 : i32
          %dma_start3A_173 = arith.constant 0 : i32
          %dma_start3A_174 = tpu.memref_slice %arg10[%arg1, %dma_start3A_172, %dma_start3A_173] : memref<16x1024x8xf32, #tpu.memory_space<vmem_shared>> -> memref<1x512x8xf32, #tpu.memory_space<vmem_shared>>
          %dma_start3A_175 = tpu.memref_squeeze %dma_start3A_174 : memref<1x512x8xf32, #tpu.memory_space<vmem_shared>> -> memref<512x8xf32, #tpu.memory_space<vmem_shared>>
          tpu.enqueue_dma source(%dma_start3A_175 : memref<512x8xf32, #tpu.memory_space<vmem_shared>>) target(%dma_start3A_171 : memref<512x8xf32, #tpu.memory_space<vmem>>) target_semaphore(%run_scoped3A : memref<!tpu.dma_semaphore, #tpu.memory_space<semaphore_mem>>)
          %dma_wait3A_176 = arith.constant 512 : i32
          %dma_wait3A_177 = arith.constant 0 : i32
          %dma_wait3A_178 = tpu.memref_slice %arg9[%dma_wait3A_176, %dma_wait3A_177] : memref<2048x8xf32, #tpu.memory_space<vmem>> -> memref<512x8xf32, #tpu.memory_space<vmem>>
          %dma_wait3A_179 = arith.constant 0 : i32
          %dma_wait3A_180 = arith.constant 0 : i32
          %dma_wait3A_181 = tpu.memref_slice %arg10[%arg1, %dma_wait3A_179, %dma_wait3A_180] : memref<16x1024x8xf32, #tpu.memory_space<vmem_shared>> -> memref<1x512x8xf32, #tpu.memory_space<vmem_shared>>
          %dma_wait3A_182 = tpu.memref_squeeze %dma_wait3A_181 : memref<1x512x8xf32, #tpu.memory_space<vmem_shared>> -> memref<512x8xf32, #tpu.memory_space<vmem_shared>>
          %dma_wait3A_183 = arith.constant 512 : i32
          %dma_wait3A_184 = arith.constant 0 : i32
          %dma_wait3A_185 = tpu.memref_slice %arg9[%dma_wait3A_183, %dma_wait3A_184] : memref<2048x8xf32, #tpu.memory_space<vmem>> -> memref<512x8xf32, #tpu.memory_space<vmem>>
          %dma_wait3A_186 = arith.constant 0 : i32
          %dma_wait3A_187 = arith.constant 0 : i32
          %dma_wait3A_188 = tpu.memref_slice %arg10[%arg1, %dma_wait3A_186, %dma_wait3A_187] : memref<16x1024x8xf32, #tpu.memory_space<vmem_shared>> -> memref<1x512x8xf32, #tpu.memory_space<vmem_shared>>
          %dma_wait3A_189 = tpu.memref_squeeze %dma_wait3A_188 : memref<1x512x8xf32, #tpu.memory_space<vmem_shared>> -> memref<512x8xf32, #tpu.memory_space<vmem_shared>>
          tpu.wait_dma2 semaphore(%run_scoped3A : memref<!tpu.dma_semaphore, #tpu.memory_space<semaphore_mem>>) src(%dma_wait3A_189 : memref<512x8xf32, #tpu.memory_space<vmem_shared>>) dst(%dma_wait3A_185 : memref<512x8xf32, #tpu.memory_space<vmem>>)
          tpu.yield
        }) : () -> ()
        "tpu.region"() ({
          %run_scoped3A = tpu.sem_alloc : memref<!tpu.dma_semaphore, #tpu.memory_space<semaphore_mem>>
          %dma_start3A_162 = arith.constant 0 : i32
          %dma_start3A_163 = arith.constant 0 : i32
          %dma_start3A_164 = tpu.memref_slice %arg9[%dma_start3A_162, %dma_start3A_163] : memref<2048x8xf32, #tpu.memory_space<vmem>> -> memref<1024x8xf32, #tpu.memory_space<vmem>>
          %dma_start3A_165 = arith.constant 0 : i32
          %dma_start3A_166 = arith.constant 0 : i32
          %dma_start3A_167 = tpu.memref_slice %arg10[%arg1, %dma_start3A_165, %dma_start3A_166] : memref<16x1024x8xf32, #tpu.memory_space<vmem_shared>> -> memref<1x1024x8xf32, #tpu.memory_space<vmem_shared>>
          %dma_start3A_168 = tpu.memref_squeeze %dma_start3A_167 : memref<1x1024x8xf32, #tpu.memory_space<vmem_shared>> -> memref<1024x8xf32, #tpu.memory_space<vmem_shared>>
          %dma_start3A_169 = arith.constant 0 : i32
          %dma_start3A_170 = arith.constant 0 : i32
          %dma_start3A_171 = tpu.memref_slice %arg10[%arg1, %dma_start3A_169, %dma_start3A_170] : memref<16x1024x8xf32, #tpu.memory_space<vmem_shared>> -> memref<1x1024x8xf32, #tpu.memory_space<vmem_shared>>
          %dma_start3A_172 = tpu.memref_squeeze %dma_start3A_171 : memref<1x1024x8xf32, #tpu.memory_space<vmem_shared>> -> memref<1024x8xf32, #tpu.memory_space<vmem_shared>>
          %dma_start3A_173 = arith.constant 0 : i32
          %dma_start3A_174 = arith.constant 0 : i32
          %dma_start3A_175 = tpu.memref_slice %arg9[%dma_start3A_173, %dma_start3A_174] : memref<2048x8xf32, #tpu.memory_space<vmem>> -> memref<1024x8xf32, #tpu.memory_space<vmem>>
          tpu.enqueue_dma source(%dma_start3A_175 : memref<1024x8xf32, #tpu.memory_space<vmem>>) target(%dma_start3A_172 : memref<1024x8xf32, #tpu.memory_space<vmem_shared>>) target_semaphore(%run_scoped3A : memref<!tpu.dma_semaphore, #tpu.memory_space<semaphore_mem>>)
          %dma_wait3A_176 = arith.constant 0 : i32
          %dma_wait3A_177 = arith.constant 0 : i32
          %dma_wait3A_178 = tpu.memref_slice %arg9[%dma_wait3A_176, %dma_wait3A_177] : memref<2048x8xf32, #tpu.memory_space<vmem>> -> memref<1024x8xf32, #tpu.memory_space<vmem>>
          %dma_wait3A_179 = arith.constant 0 : i32
          %dma_wait3A_180 = arith.constant 0 : i32
          %dma_wait3A_181 = tpu.memref_slice %arg10[%arg1, %dma_wait3A_179, %dma_wait3A_180] : memref<16x1024x8xf32, #tpu.memory_space<vmem_shared>> -> memref<1x1024x8xf32, #tpu.memory_space<vmem_shared>>
          %dma_wait3A_182 = tpu.memref_squeeze %dma_wait3A_181 : memref<1x1024x8xf32, #tpu.memory_space<vmem_shared>> -> memref<1024x8xf32, #tpu.memory_space<vmem_shared>>
          %dma_wait3A_183 = arith.constant 0 : i32
          %dma_wait3A_184 = arith.constant 0 : i32
          %dma_wait3A_185 = tpu.memref_slice %arg10[%arg1, %dma_wait3A_183, %dma_wait3A_184] : memref<16x1024x8xf32, #tpu.memory_space<vmem_shared>> -> memref<1x1024x8xf32, #tpu.memory_space<vmem_shared>>
          %dma_wait3A_186 = tpu.memref_squeeze %dma_wait3A_185 : memref<1x1024x8xf32, #tpu.memory_space<vmem_shared>> -> memref<1024x8xf32, #tpu.memory_space<vmem_shared>>
          %dma_wait3A_187 = arith.constant 0 : i32
          %dma_wait3A_188 = arith.constant 0 : i32
          %dma_wait3A_189 = tpu.memref_slice %arg9[%dma_wait3A_187, %dma_wait3A_188] : memref<2048x8xf32, #tpu.memory_space<vmem>> -> memref<1024x8xf32, #tpu.memory_space<vmem>>
          tpu.wait_dma2 semaphore(%run_scoped3A : memref<!tpu.dma_semaphore, #tpu.memory_space<semaphore_mem>>) src(%dma_wait3A_189 : memref<1024x8xf32, #tpu.memory_space<vmem>>) dst(%dma_wait3A_186 : memref<1024x8xf32, #tpu.memory_space<vmem_shared>>)
          tpu.yield
        }) : () -> ()
        "tpu.region"() ({
          %run_scoped3A = tpu.sem_alloc : memref<!tpu.dma_semaphore, #tpu.memory_space<semaphore_mem>>
          %dma_start3A_162 = arith.constant 1024 : i32
          %dma_start3A_163 = arith.constant 0 : i32
          %dma_start3A_164 = tpu.memref_slice %arg9[%dma_start3A_162, %dma_start3A_163] : memref<2048x8xf32, #tpu.memory_space<vmem>> -> memref<1024x8xf32, #tpu.memory_space<vmem>>
          %dma_start3A_165 = arith.constant 0 : i32
          %dma_start3A_166 = arith.constant 0 : i32
          %dma_start3A_167 = tpu.memref_slice %arg10[%arg1, %dma_start3A_165, %dma_start3A_166] : memref<16x1024x8xf32, #tpu.memory_space<vmem_shared>> -> memref<1x1024x8xf32, #tpu.memory_space<vmem_shared>>
          %dma_start3A_168 = tpu.memref_squeeze %dma_start3A_167 : memref<1x1024x8xf32, #tpu.memory_space<vmem_shared>> -> memref<1024x8xf32, #tpu.memory_space<vmem_shared>>
          %dma_start3A_169 = arith.constant 1024 : i32
          %dma_start3A_170 = arith.constant 0 : i32
          %dma_start3A_171 = tpu.memref_slice %arg9[%dma_start3A_169, %dma_start3A_170] : memref<2048x8xf32, #tpu.memory_space<vmem>> -> memref<1024x8xf32, #tpu.memory_space<vmem>>
          %dma_start3A_172 = arith.constant 0 : i32
          %dma_start3A_173 = arith.constant 0 : i32
          %dma_start3A_174 = tpu.memref_slice %arg10[%arg1, %dma_start3A_172, %dma_start3A_173] : memref<16x1024x8xf32, #tpu.memory_space<vmem_shared>> -> memref<1x1024x8xf32, #tpu.memory_space<vmem_shared>>
          %dma_start3A_175 = tpu.memref_squeeze %dma_start3A_174 : memref<1x1024x8xf32, #tpu.memory_space<vmem_shared>> -> memref<1024x8xf32, #tpu.memory_space<vmem_shared>>
          tpu.enqueue_dma source(%dma_start3A_175 : memref<1024x8xf32, #tpu.memory_space<vmem_shared>>) target(%dma_start3A_171 : memref<1024x8xf32, #tpu.memory_space<vmem>>) target_semaphore(%run_scoped3A : memref<!tpu.dma_semaphore, #tpu.memory_space<semaphore_mem>>)
          %dma_wait3A_176 = arith.constant 1024 : i32
          %dma_wait3A_177 = arith.constant 0 : i32
          %dma_wait3A_178 = tpu.memref_slice %arg9[%dma_wait3A_176, %dma_wait3A_177] : memref<2048x8xf32, #tpu.memory_space<vmem>> -> memref<1024x8xf32, #tpu.memory_space<vmem>>
          %dma_wait3A_179 = arith.constant 0 : i32
          %dma_wait3A_180 = arith.constant 0 : i32
          %dma_wait3A_181 = tpu.memref_slice %arg10[%arg1, %dma_wait3A_179, %dma_wait3A_180] : memref<16x1024x8xf32, #tpu.memory_space<vmem_shared>> -> memref<1x1024x8xf32, #tpu.memory_space<vmem_shared>>
          %dma_wait3A_182 = tpu.memref_squeeze %dma_wait3A_181 : memref<1x1024x8xf32, #tpu.memory_space<vmem_shared>> -> memref<1024x8xf32, #tpu.memory_space<vmem_shared>>
          %dma_wait3A_183 = arith.constant 1024 : i32
          %dma_wait3A_184 = arith.constant 0 : i32
          %dma_wait3A_185 = tpu.memref_slice %arg9[%dma_wait3A_183, %dma_wait3A_184] : memref<2048x8xf32, #tpu.memory_space<vmem>> -> memref<1024x8xf32, #tpu.memory_space<vmem>>
          %dma_wait3A_186 = arith.constant 0 : i32
          %dma_wait3A_187 = arith.constant 0 : i32
          %dma_wait3A_188 = tpu.memref_slice %arg10[%arg1, %dma_wait3A_186, %dma_wait3A_187] : memref<16x1024x8xf32, #tpu.memory_space<vmem_shared>> -> memref<1x1024x8xf32, #tpu.memory_space<vmem_shared>>
          %dma_wait3A_189 = tpu.memref_squeeze %dma_wait3A_188 : memref<1x1024x8xf32, #tpu.memory_space<vmem_shared>> -> memref<1024x8xf32, #tpu.memory_space<vmem_shared>>
          tpu.wait_dma2 semaphore(%run_scoped3A : memref<!tpu.dma_semaphore, #tpu.memory_space<semaphore_mem>>) src(%dma_wait3A_189 : memref<1024x8xf32, #tpu.memory_space<vmem_shared>>) dst(%dma_wait3A_185 : memref<1024x8xf32, #tpu.memory_space<vmem>>)
          tpu.yield
        }) : () -> ()
      } else {
      }
      %not3A = arith.constant true
      %not3A_143 = arith.xori %and3A_141, %not3A : i1
      %convert_element_type3A_144 = arith.extui %not3A_143 : i1 to i32
      %cond3A_145 = arith.constant 0 : i32
      %cond3A_146 = arith.cmpi ne, %convert_element_type3A_144, %cond3A_145 : i32
      scf.if %cond3A_146 {
        %dma_start3A = arith.constant 0 : i32
        %dma_start3A_148 = arith.constant 0 : i32
        %dma_start3A_149 = tpu.memref_slice %arg2[%dma_start3A, %dma_start3A_148] : memref<4198401x8xf32, #tpu.memory_space<hbm>> -> memref<4198401x8xf32, #tpu.memory_space<hbm>>
        tpu.enqueue_indirect_dma source(%dma_start3A_149 : memref<4198401x8xf32, #tpu.memory_space<hbm>>) target(%arg9 : memref<2048x8xf32, #tpu.memory_space<vmem>>) offsets(%arg8 : memref<2048xi32, #tpu.memory_space<vmem>>) semaphore(%arg11 : memref<!tpu.dma_semaphore, #tpu.memory_space<semaphore_mem>>)
        %dma_wait3A = arith.constant 0 : i32
        %dma_wait3A_150 = arith.constant 0 : i32
        %dma_wait3A_151 = tpu.memref_slice %arg2[%dma_wait3A, %dma_wait3A_150] : memref<4198401x8xf32, #tpu.memory_space<hbm>> -> memref<4198401x8xf32, #tpu.memory_space<hbm>>
        tpu.wait_indirect_dma semaphore(%arg11 : memref<!tpu.dma_semaphore, #tpu.memory_space<semaphore_mem>>) src(%dma_wait3A_151 : memref<4198401x8xf32, #tpu.memory_space<hbm>>) dst(%arg9 : memref<2048x8xf32, #tpu.memory_space<vmem>>)
      } else {
      }
      "tpu.region"() ({
        %run_scoped3A = tpu.sem_alloc : memref<!tpu.dma_semaphore, #tpu.memory_space<semaphore_mem>>
        %dma_start3A = arith.constant 0 : i32
        %dma_start3A_148 = arith.constant 0 : i32
        %dma_start3A_149 = tpu.memref_slice %arg5[%add3A_11, %dma_start3A, %dma_start3A_148] : memref<2048x2048x8xf32, #tpu.memory_space<hbm>> -> memref<1x2048x8xf32, #tpu.memory_space<hbm>>
        %dma_start3A_150 = tpu.memref_squeeze %dma_start3A_149 : memref<1x2048x8xf32, #tpu.memory_space<hbm>> -> memref<2048x8xf32, #tpu.memory_space<hbm>>
        %dma_start3A_151 = arith.constant 0 : i32
        %dma_start3A_152 = arith.constant 0 : i32
        %dma_start3A_153 = tpu.memref_slice %arg5[%add3A_11, %dma_start3A_151, %dma_start3A_152] : memref<2048x2048x8xf32, #tpu.memory_space<hbm>> -> memref<1x2048x8xf32, #tpu.memory_space<hbm>>
        %dma_start3A_154 = tpu.memref_squeeze %dma_start3A_153 : memref<1x2048x8xf32, #tpu.memory_space<hbm>> -> memref<2048x8xf32, #tpu.memory_space<hbm>>
        tpu.enqueue_dma source(%arg9 : memref<2048x8xf32, #tpu.memory_space<vmem>>) target(%dma_start3A_154 : memref<2048x8xf32, #tpu.memory_space<hbm>>) target_semaphore(%run_scoped3A : memref<!tpu.dma_semaphore, #tpu.memory_space<semaphore_mem>>)
        %dma_wait3A = arith.constant 0 : i32
        %dma_wait3A_155 = arith.constant 0 : i32
        %dma_wait3A_156 = tpu.memref_slice %arg5[%add3A_11, %dma_wait3A, %dma_wait3A_155] : memref<2048x2048x8xf32, #tpu.memory_space<hbm>> -> memref<1x2048x8xf32, #tpu.memory_space<hbm>>
        %dma_wait3A_157 = tpu.memref_squeeze %dma_wait3A_156 : memref<1x2048x8xf32, #tpu.memory_space<hbm>> -> memref<2048x8xf32, #tpu.memory_space<hbm>>
        %dma_wait3A_158 = arith.constant 0 : i32
        %dma_wait3A_159 = arith.constant 0 : i32
        %dma_wait3A_160 = tpu.memref_slice %arg5[%add3A_11, %dma_wait3A_158, %dma_wait3A_159] : memref<2048x2048x8xf32, #tpu.memory_space<hbm>> -> memref<1x2048x8xf32, #tpu.memory_space<hbm>>
        %dma_wait3A_161 = tpu.memref_squeeze %dma_wait3A_160 : memref<1x2048x8xf32, #tpu.memory_space<hbm>> -> memref<2048x8xf32, #tpu.memory_space<hbm>>
        tpu.wait_dma2 semaphore(%run_scoped3A : memref<!tpu.dma_semaphore, #tpu.memory_space<semaphore_mem>>) src(%arg9 : memref<2048x8xf32, #tpu.memory_space<vmem>>) dst(%dma_wait3A_161 : memref<2048x8xf32, #tpu.memory_space<hbm>>)
        tpu.yield
      }) : () -> ()
      %scan3A_147 = arith.constant 0 : i32
      scf.yield %scan3A_147 : i32
    }
    %scan3A_8 = arith.constant 64 : i32
    return
  }
}

</mosaic_0001>

<sc_bundles>
// kernel: kernel.3.cloned.1.call-start
scs
__scs_entry_jumppad:
0x0: {  	(pc) =	sbr.rel $0x88, $3  }
0x1: {  	(tag) =	ssettag $0x0;
	lr =	simm.s32 $0x1  }
0x2: {  	[smem:$0x3F9F] =	sst lr;
	_ =	strace $0xD0000000  }
0x3: {  	_ = 	snop  }
0x4: {  	_ = 	snop  }
0x5: {  	_ = 	snop  }
0x6: {  	_ = 	snop  }
0x7: {  	_ = 	snop  }
__scs_overlays_trampoline_lowered:
0x8: {  	[smem:$0x3FAE] =	sst s0  }
0x9: {  	[smem:$0x3FAF] =	sst s1  }
0xa: {  	[smem:$0x3FB0] =	sst s2  }
0xb: {  	[smem:$0x3FB1] =	sst s3  }
0xc: {  	[smem:$0x3FB2] =	sst s4  }
0xd: {  	[smem:$0x3FB3] =	sst s5  }
0xe: {  	[smem:$0x3FB4] =	sst s6  }
0xf: {  	[smem:$0x3FB5] =	sst s7  }
0x10: {  	[smem:$0x3FB6] =	sst s8  }
0x11: {  	[smem:$0x3FB7] =	sst s9;
	s0 =	simm.s32 @!p0 $0x0  }
0x12: {  	s1 =	sld [smem:$0x3F9D];
	s0 =	simm.s32 @p0 $0x1  }
0x13: {  	[smem:$0x3FB8] =	sst s0;
	s0 =	simm.s32 @!p1 $0x0  }
0x14: {  	s2 =	sld [smem:$0x3F9C];
	s0 =	simm.s32 @p1 $0x1  }
0x15: {  	[smem:$0x3FB9] =	sst s0;
	s0 =	simm.s32 @!p2 $0x0  }
0x16: {  	s3 =	sld [smem:$0x3FDB];
	s0 =	simm.s32 @p2 $0x1  }
0x17: {  	s4 =	simm.s32 $0x1BF5;
	[smem:$0x3FBB] =	sst s0  }
0x18: {  	s0 =	sld [smem:$0x3F9E];
	_ =	swait.ge [sflag:s4], $0x0  }
0x19: {  	s7 =	sld [smem:$0x3F9F]  }
0x1a: {  	s8 =	sadd.s32 $0xFFFFE003, lr  }
0x1b: {  	s9 =	sadd.s32 $0xFFFFFEF7, lr;
	s5 =	simm.s32 $0xFFFFFFFF;
	p2 =	slt.u32 s8, $0xFFFFF086  }
0x1c: {  	p1 =	slt.u32 s9, $0xF7A;
	s5 =	simm.s32 @!p2 $0x0  }
0x1d: {  	s5 =	simm.s32 @p1 $0x1;
	p0 =	seq.s32 s7, s2  }
0x1e: {  	s7 =	smul.u32 @!p0 $0xF7A, s2;
	p2 =	seq.s32 @!p0 s5, $0x0  }
0x1f: {  	s9 =	smul.u32 $0xF7A, s1;
	s8 =	simm.s32 @!p0 $0x1BF5;
	p2 =	por !p2, p0  }
0x20: {  	[sflag:s8] =	ssyncset.s32 @!p0 $0xFFFFF086;
	s6 =	sadd.s32 @!p0 s3, s7;
	s7 =	simm.s32 @!p0 $0x108  }
0x21: {  	s3 =	sadd.s32 s3, s9;
	s6 =	sadd.s32 @!p0 $0x88, s6;
	s7 =	simm.s32 @p2 $0x1082  }
0x22: {  	[simem:s7], [sflag:s8] =	dma.local @!p0 [hbm:s6], $0xF7A  }
0x23: {  	s9 =	sor.u32 $0xD0000000, s2;
	s6 =	simm.s32 $0x108;
	_ =	swait.ge @!p0 [sflag:s8], $0x0  }
0x24: {  	s3 =	sadd.s32 $0x88, s3;
	s6 =	simm.s32 @!p1 $0x1082;
	[sflag:s4] =	ssyncset.s32 $0xFFFFF086  }
0x25: {  	[simem:s6], [sflag:s4] =	dma.local [hbm:s3], $0xF7A  }
0x26: {  	[smem:$0x3F9F] =	sst s1;
	(tag) =	ssettag s2;
	_ =	strace s9  }
0x27: {  	s1 =	sld [smem:$0x3FAF]  }
0x28: {  	s2 =	sld [smem:$0x3FB0]  }
0x29: {  	s4 =	sld [smem:$0x3FB2]  }
0x2a: {  	p0 =	seq.s32 s5, $0x0;
	s5 =	sld [smem:$0x3FB3]  }
0x2b: {  	s6 =	sld [smem:$0x3FB4]  }
0x2c: {  	s7 =	sld [smem:$0x3FB5]  }
0x2d: {  	s3 =	simm.s32 $0x108;
	s8 =	sld [smem:$0x3FB6]  }
0x2e: {  	s3 =	simm.s32 @!p0 $0x1082;
	s9 =	sld [smem:$0x3FB7]  }
0x2f: {  	lr =	sadd.s32 s0, s3;
	s0 =	sld [smem:$0x3FAE]  }
0x30: {  	s3 =	sld [smem:$0x3FB1]  }
0x31: {  	[smem:$0x3FBA] =	sst s10  }
0x32: {  	s10 =	sld [smem:$0x3FB8];
	_ =	sdelay $0x3  }
0x33: {  	p0 =	seq.s32 s10, $0x1;
	s10 =	sld [smem:$0x3FBA];
	_ =	sdelay $0x3  }
0x34: {  	[smem:$0x3FBA] =	sst s10  }
0x35: {  	s10 =	sld [smem:$0x3FB9];
	_ =	sdelay $0x3  }
0x36: {  	p1 =	seq.s32 s10, $0x1;
	s10 =	sld [smem:$0x3FBA];
	_ =	sdelay $0x3  }
0x37: {  	[smem:$0x3FBA] =	sst s10  }
0x38: {  	s10 =	sld [smem:$0x3FBB]  }
0x39: {  	_ = 	snop;
	(pc) =	sbr.ind lr, $3  }
0x3a: {  	_ = 	snop  }
0x3b: {  	_ = 	snop  }
0x3c: {  	p2 =	seq.s32 s10, $0x1;
	s10 =	sld [smem:$0x3FBA]  }
0x3d: {  	_ =	shalt  }
0x3e: {  	_ =	shalt  }
0x3f: {  	_ =	shalt  }
0x40: {  	_ =	shalt  }
0x41: {  	_ =	shalt  }
0x42: {  	_ =	shalt  }
0x43: {  	_ =	shalt  }
0x44: {  	_ =	shalt  }
0x45: {  	_ =	shalt  }
0x46: {  	_ =	shalt  }
0x47: {  	_ =	shalt  }
0x48: {  	_ =	shalt  }
0x49: {  	_ =	shalt  }
0x4a: {  	_ =	shalt  }
0x4b: {  	_ =	shalt  }
0x4c: {  	_ =	shalt  }
0x4d: {  	_ =	shalt  }
0x4e: {  	_ =	shalt  }
0x4f: {  	_ =	shalt  }
0x50: {  	_ =	shalt  }
0x51: {  	_ =	shalt  }
0x52: {  	_ =	shalt  }
0x53: {  	_ =	shalt  }
0x54: {  	_ =	shalt  }
0x55: {  	_ =	shalt  }
0x56: {  	_ =	shalt  }
0x57: {  	_ =	shalt  }
0x58: {  	_ =	shalt  }
0x59: {  	_ =	shalt  }
0x5a: {  	_ =	shalt  }
0x5b: {  	_ =	shalt  }
0x5c: {  	_ =	shalt  }
0x5d: {  	_ =	shalt  }
0x5e: {  	_ =	shalt  }
0x5f: {  	_ =	shalt  }
0x60: {  	_ =	shalt  }
0x61: {  	_ =	shalt  }
0x62: {  	_ =	shalt  }
0x63: {  	_ =	shalt  }
0x64: {  	_ =	shalt  }
0x65: {  	_ =	shalt  }
0x66: {  	_ =	shalt  }
0x67: {  	_ =	shalt  }
0x68: {  	_ =	shalt  }
0x69: {  	_ =	shalt  }
0x6a: {  	_ =	shalt  }
0x6b: {  	_ =	shalt  }
0x6c: {  	_ =	shalt  }
0x6d: {  	_ =	shalt  }
0x6e: {  	_ =	shalt  }
0x6f: {  	_ =	shalt  }
0x70: {  	_ =	shalt  }
0x71: {  	_ =	shalt  }
0x72: {  	_ =	shalt  }
0x73: {  	_ =	shalt  }
0x74: {  	_ =	shalt  }
0x75: {  	_ =	shalt  }
0x76: {  	_ =	shalt  }
0x77: {  	_ =	shalt  }
0x78: {  	_ =	shalt  }
0x79: {  	_ =	shalt  }
0x7a: {  	_ =	shalt  }
0x7b: {  	_ =	shalt  }
0x7c: {  	_ =	shalt  }
0x7d: {  	_ =	shalt  }
0x7e: {  	_ =	shalt  }
0x7f: {  	_ =	shalt  }
0x80: {  	_ =	shalt  }
0x81: {  	_ =	shalt  }
0x82: {  	_ =	shalt  }
0x83: {  	_ =	shalt  }
0x84: {  	_ =	shalt  }
0x85: {  	_ =	shalt  }
0x86: {  	_ =	shalt  }
0x87: {  	_ =	shalt  }
.Lfunc_end0:
.L_simem_size_0:
called_computation.3_lowered:
.L_overlay_start_0:
0x88: {  	s2 =	sld [smem:$0x3FD9]  }
0x89: {  	s3 =	sld [smem:$0x3FFE];
	_ =	sdelay $0x1  }
0x8a: {  	s1 =	srdreg.scid  }
0x8b: {  	s0 =	sand.u32 $0x1, s1  }
0x8c: {  	s16 =	sshll.u32 s0, $0xA;
	s2 =	sadd.s32 s3, s2  }
0x8d: {  	s2 =	sadd.s32 s2, s16  }
0x8e: {  	[smem:$0x3FC6] =	sst s2  }
0x8f: {  	_ = 	snop  }
0x90: {  	(tm) =	ssettm $0x1  }
0x91: {  	s17 =	sld [smem:$0x3FFB];
	_ =	sdelay $0x3  }
0x92: {  	_ =	strace s17  }
0x93: {  	s2 =	sld [smem:$0x3FFC];
	_ =	sdelay $0x3  }
0x94: {  	_ =	strace s2  }
0x95: {  	s2 =	sld [smem:$0x3FFD];
	_ =	sdelay $0x3  }
0x96: {  	_ =	strace s2  }
0x97: {  	_ =	strace $0x8FFFFFFF  }
0x98: {  	s18 =	sld [smem:$0x3FDB];
	_ =	sdelay $0x1  }
0x99: {  	s19 =	simm.s32 $_scs_section_size  }
0x9a: {  	s4 =	simm.s32 $_size__tile_overlayer_lowered;
	s5 =	simm.s32 $_tile_overlayer_lowered  }
0x9b: {  	s22 =	simm.s32 $0x1BFF;
	s21 =	sshll.u32 s5, $0x1;
	s2 =	sadd.s32 s19, s18  }
0x9c: {  	s6 =	simm.s32 $0x0;
	s20 =	sshll.u32 s4, $0x1;
	s4 =	sadd.s32 s21, s2  }
0x9d: {  	[timem:s6], [sflag:s22] =	dma.local [hbm:s4], s20  }
0x9e: {  	_ =	swait.ge [sflag:s22], s20  }
0x9f: {  	s3 =	ssub.s32 $0x0, s20;
	[sflag:s22] =	ssyncset.done $0x0  }
0xa0: {  	[sflag:s22] =	ssyncadd.s32 s3;
	_ =	sdelay $0x1  }
0xa1: {  	s23 =	simm.s32 $0x1B8B  }
0xa2: {  	_ =	swait.ge [sflag:s23], $0x1  }
0xa3: {  	[sflag:s23] =	ssyncset.done $0x0  }
0xa4: {  	s25 =	simm.s32 $0x1B8E;
	s24 =	sld [smem:$0x3FFE];
	[sflag:s23] =	ssyncadd.s32 $0xFFFFFFFF  }
0xa5: {  	s26 =	simm.s32 $execute0_lowered;
	[smem:$0x3FD2] =	sst s25  }
0xa6: {  	s4 =	sshll.u32 s26, $0x1;
	_ =	strace $0x8000004C;
	[dreg:$0x1] =	wrdreg $0xFFFFFFFF  }
0xa7: {  	s28 =	simm.s32 $_size_execute0_lowered;
	s2 =	sadd.s32 s2, s4;
	[dreg:$0x0] =	wrdreg $0x0  }
0xa8: {  	s4 =	sshll.u32 s28, $0x1;
	[dreg:$0x2] =	wrdreg s2  }
0xa9: {  	[dreg:$0x3] =	wrdreg s4  }
0xaa: {  	[dreg:$0x4] =	wrdreg $0xC0  }
0xab: {  	_ =	task [dreg:s6], $0x5FFFF  }
0xac: {  	[dreg:$0x1] =	wrdreg $0xFFFFFFFF  }
0xad: {  	[dreg:$0x0] =	wrdreg $0x60  }
0xae: {  	[dreg:$0x2] =	wrdreg s24  }
0xaf: {  	[dreg:$0x3] =	wrdreg $0x58000  }
0xb0: {  	[dreg:$0x4] =	wrdreg $0x9  }
0xb1: {  	_ =	task.clear_ibuf [dreg:s6], $0x5FFFF;
	_ =	strace $0x9000004C  }
0xb2: {  	s29 =	simm.s32 $0x9;
	_ =	strace $0x8000004E  }
0xb3: {  	_ =	swait.ge [sflag:s29], $0x1  }
0xb4: {  	[sflag:s29] =	ssyncadd.s32 $0xFFFFFFFF  }
0xb5: {  	_ =	strace $0x9000004E  }
0xb6: {  	_ =	sfence  }
0xb7: {  	s30 =	sld [smem:$0x0];
	_ =	sdelay $0x2  }
0xb8: {  	s31 =	sshll.u32 s1, $0xD;
	s1 =	sshrl.u32 s1, $0x2  }
0xb9: {  	s3 =	sand.u32 $0x4000, s31;
	s1 =	sadd.s32 s1, s30  }
0xba: {  	s0 =	sor.u32 s3, s0;
	s1 =	sshll.u32 s1, $0x11  }
0xbb: {  	s0 =	sor.u32 s1, s0  }
0xbc: {  	s0 =	sadd.s32 $0x8F2B, s0  }
0xbd: {  	[sflag:s0] =	ssyncadd.remote.s32 $0x1  }
0xbe: {  	_ =	sfence.sel $0xFFFF  }
0xbf: {  	[dreg:$0x0] =	wrdreg $0xFFFFFFFF;
	(pc) =	sbr.abs _section_cstart, $3  }
0xc0: {  	[dreg:$0x1] =	wrdreg $0xFFFFFFFF  }
0xc1: {  	_ =	task.clear_ibuf [dreg:s6], $0x2FFFF;
	_ =	strace $0x9FFFFFFF  }
0xc2: {  	(tm) =	ssettm $0x7FFFFFFF  }
0xc3: {  	_ =	shalt  }
tec
execute0_lowered:
.L_overlay_start_1:
0x0: {  	(tag) =	ssettag $0x1  }
0x1: {  	s0 =	rddreg [dreg:$0x0]  }
0x2: {  	s1 =	rddreg [dreg:$0x1];
	s3 =	simm.s32 $0x0  }
0x3: {  	s2 =	srdreg.scid;
	s26 =	stileid.u32;
	s10 =	simm.s32 $0x2  }
0x4: {  	[smem:$0x7FF] =	sst s3;
	s22 =	sand.u32 $0x1, s2;
	s23 =	sadd.s32 $0x284600, s0  }
0x5: {  	s24 =	sadd.s32 $0x84600, s0;
	s25 =	sadd.s32 $0x4600, s0;
	s0 =	sadd.s32 $0x685800, s0  }
0x6: {  	s29 =	sshll.u32 s26, $0x7;
	_ =	strace $0x8000004D;
	[dreg:$0x3] =	wrdreg s23  }
.Ltmp0:
0x7: {  	s7 =	ssub.s32 $0x2, s22;
	[dreg:$0x4] =	wrdreg s24;
	(pc) =	sbr.rel .LBB2_1-.Ltmp0, $4  }
0x8: {  	[dreg:$0x5] =	wrdreg s25;
	s3 =	sshll.u32 s22, $0x6;
	s8 =	sshrl.u32 s7, $0x1  }
0x9: {  	[dreg:$0x6] =	wrdreg s0;
	s31 =	sor.u32 s3, s29;
	s28 =	ssub.s32 s7, s8  }
0xa: {  	s30 =	sshll.u32 s26, $0xD;
	[dreg:$0x7] =	wrdreg s31;
	s0 =	smax.u32 s28, $0x1  }
0xb: {  	v0 =	vimm.s32 $0x0;
	s8 =	sadd.s32 s30, s1;
	s1 =	simm.s32 $0x0;
	[dreg:$0x8] =	wrdreg s0  }
.LBB2_8:
0xc: {  	s1 =	rddreg [dreg:$0x9]  }
0xd: {  	s0 =	rddreg [dreg:$0x8];
	s1 =	sadd.s32 $0x1, s1  }
0xe: {  	p0 =	sne.s32 s1, s0  }
.Ltmp1:
0xf: {  	_ = 	snop;
	(pc) =	sbr.rel @!p0 .LBB2_9-.Ltmp1, $1  }
0x10: {  	_ =	sdelay $0x3  }
.LBB2_1:
0x11: {  	[dreg:$0x9] =	wrdreg s1;
	s11 =	simm.s32 $0x0  }
.LBB2_2:
0x12: {  	s0 =	rddreg [dreg:$0x7]  }
0x13: {  	s1 =	rddreg [dreg:$0x4];
	s0 =	sadd.s32 s0, s11  }
0x14: {  	[dreg:$0xa] =	wrdreg s0;
	s0 =	sshll.u32 s0, $0x8  }
0x15: {  	s3 =	simm.s32 $0x0;
	s1 =	sadd.s32 s1, s0  }
0x16: {  	[tilespmem:s3], [sflag:$0x2] =	stream.linear.gather [hbm4b:s1+s3], $0x800, $0x38;
	[tilespmem:$0x7800] =	vst v63  }
0x17: {  	_ =	swait.ge [sflag:s10], $0x800  }
0x18: {  	[sflag:s10] =	ssyncset.done $0x0;
	s30 =	rddreg [dreg:$0x5]  }
0x19: {  	s31 =	simm.s32 $0x800;
	[sflag:s10] =	ssyncadd.s32 $0xFFFFF800;
	s0 =	sadd.s32 s30, s0  }
0x1a: {  	[tilespmem:s31], [sflag:$0x2] =	stream.linear.gather [hbm4b:s0+s3], $0x800, $0x38;
	[tilespmem:$0x7800] =	vst v63  }
0x1b: {  	_ =	swait.ge [sflag:s10], $0x800  }
0x1c: {  	[sflag:s10] =	ssyncset.done $0x0  }
0x1d: {  	s28 =	simm.s32 $0x0;
	[sflag:s10] =	ssyncadd.s32 $0xFFFFF800  }
0x1e: {  	v1 =	vld [tilespmem:s28+$0x800];
	_ =	sdelay $0x1  }
0x1f: {  	v3 =	vld [tilespmem:s28+$0x0];
	_ =	sdelay $0x2  }
0x20: {  	v1 =	vmax.f32 v1, $-4.096000000e+03  }
0x21: {  	v5 =	vmin.f32 v1, $4.096000000e+03  }
0x22: {  	v2 =	vimm.s32 $0x7FFFFFFF;
	s29 =	simm.s32 $0x10;
	v1 =	vmax.f32 v3, $-4.096000000e+03;
	v7 =	vtrunc.f32 v5  }
0x23: {  	v4 =	vmin.f32 v1, $4.096000000e+03;
	v1 =	vld [tilespmem:s29+$0x0];
	vm0 =	vlt.f32 v5, v7;
	v7 =	vcvt.f32.s32 v7  }
0x24: {  	s0 =	simm.s32 $0x80;
	v3 =	vimm.s32 $0x80000000;
	v6 =	vtrunc.f32 v4;
	v5 =	vld [tilespmem:s29+$0x800];
	v8 =	vsel vm0, $0xFFFFFFFF, v0  }
.LBB2_3:
0x25: {  	p0 =	sne.s32 s0, $0x1FC0;
	v9 =	vcvt.f32.s32 v6;
	vm0 =	vlt.f32 v4, v6;
	v4 =	vadd.s32 v8, v7  }
0x26: {  	v6 =	vsel vm0, $0xFFFFFFFF, v0;
	v4 =	vadd.s32 $0x1, v4  }
0x27: {  	v6 =	vadd.s32 v6, v9;
	vm0 =	vgt.s32 v4, $0x0  }
0x28: {  	v1 =	vmax.f32 v1, $-4.096000000e+03;
	v6 =	vadd.s32 $0x1, v6;
	v4 =	vnsel vm0, $0x0, v4  }
0x29: {  	v5 =	vmax.f32 v5, $-4.096000000e+03;
	vm0 =	vgt.s32 v6, $0x0;
	v4 =	vmin.u32 v4, $0x800  }
.Ltmp2:
0x2a: {  	v5 =	vmin.f32 v5, $4.096000000e+03;
	v6 =	vnsel vm0, $0x0, v6;
	v8 =	vmul.u32 $0x801, v4;
	(pc) =	sbr.rel @p0 .LBB2_3-.Ltmp2, $4  }
0x2b: {  	v4 =	vmin.f32 v1, $4.096000000e+03;
	v9 =	vtrunc.f32 v5;
	v1 =	vmin.u32 v6, $0x800  }
0x2c: {  	s1 =	sshra.s32 s0, $0x2;
	v6 =	vtrunc.f32 v4;
	v7 =	vcvt.f32.s32 v9;
	v10 =	vadd.s32 v1, v8  }
0x2d: {  	vm0 =	vlt.f32 v5, v9;
	v1 =	vld [tilespmem:s1+$0x0];
	[tilespmem:s28+$0x1000] =	vst v10;
	vm1 =	vlt.s32 v2, v10;
	vm2 =	vgt.s32 v3, v10;
	s28 =	smov.u32 s29;
	s29 =	smov.u32 s1  }
0x2e: {  	s0 =	sadd.s32 $0x40, s0;
	v8 =	vsel vm0, $0xFFFFFFFF, v0;
	v5 =	vld [tilespmem:s29+$0x800];
	v2 =	vsel vm1, v2, v10;
	v3 =	vsel vm2, v3, v10  }
0x2f: {  	_ =	sdelay $0x1  }
0x30: {  	v9 =	vcvt.f32.s32 v6;
	vm0 =	vlt.f32 v4, v6  }
0x31: {  	v53 =	vadd.s32 v8, v7;
	v6 =	vsel vm0, $0xFFFFFFFF, v0  }
0x32: {  	v4 =	vadd.s32 $0x1, v53;
	v6 =	vadd.s32 v6, v9;
	v5 =	vmax.f32 v5, $-4.096000000e+03  }
0x33: {  	vm9 =	vgt.s32 v4, $0x0;
	v1 =	vmax.f32 v1, $-4.096000000e+03;
	v5 =	vmin.f32 v5, $4.096000000e+03  }
0x34: {  	v6 =	vadd.s32 $0x1, v6;
	v4 =	vnsel vm9, $0x0, v4;
	v54 =	vtrunc.f32 v5  }
0x35: {  	v1 =	vmin.f32 v1, $4.096000000e+03;
	v55 =	vcvt.f32.s32 v54;
	vm10 =	vlt.f32 v5, v54  }
0x36: {  	vm1 =	vgt.s32 v6, $0x0;
	v56 =	vtrunc.f32 v1;
	v7 =	vsel vm10, $0xFFFFFFFF, v0  }
0x37: {  	vm11 =	vlt.f32 v1, v56;
	v1 =	vcvt.f32.s32 v56;
	v57 =	vadd.s32 v7, v55  }
0x38: {  	v4 =	vmin.u32 v4, $0x800;
	v58 =	vsel vm11, $0xFFFFFFFF, v0;
	v5 =	vadd.s32 $0x1, v57  }
0x39: {  	v6 =	vnsel vm1, $0x0, v6;
	v1 =	vadd.s32 v58, v1;
	vm12 =	vgt.s32 v5, $0x0  }
0x3a: {  	v4 =	vmul.u32 $0x801, v4;
	v7 =	vadd.s32 $0x1, v1;
	v1 =	vnsel vm12, $0x0, v5  }
0x3b: {  	v59 =	vmin.u32 v6, $0x800;
	vm13 =	vgt.s32 v7, $0x0;
	v60 =	vmin.u32 v1, $0x800  }
0x3c: {  	v61 =	vnsel vm13, $0x0, v7;
	v1 =	vadd.s32 v59, v4;
	v62 =	vmul.u32 $0x801, v60  }
0x3d: {  	v4 =	vmin.u32 v61, $0x800;
	vm14 =	vlt.s32 v2, v1  }
0x3e: {  	vm15 =	vgt.s32 v3, v1;
	v63 =	vsel vm14, v2, v1;
	v2 =	vadd.s32 v4, v62  }
0x3f: {  	v3 =	vsel vm15, v3, v1;
	vm0 =	vlt.s32 v63, v2  }
0x40: {  	vm1 =	vgt.s32 v3, v2;
	v4 =	vsel vm0, v63, v2  }
0x41: {  	v3 =	vsel vm1, v3, v2;
	(v2sf) =	vpush v4, $0x0  }
0x42: {  	(v2sf) =	vpush v3, $0x0  }
0x43: {  	(v2sf) =	vpush v4, $0x1  }
0x44: {  	(v2sf) =	vpush v3, $0x1  }
0x45: {  	(v2sf) =	vpush v4, $0x2  }
0x46: {  	(v2sf) =	vpush v3, $0x2  }
0x47: {  	(v2sf) =	vpush v4, $0x3  }
0x48: {  	(v2sf) =	vpush v3, $0x3  }
0x49: {  	(v2sf) =	vpush v4, $0x4  }
0x4a: {  	(v2sf) =	vpush v3, $0x4  }
0x4b: {  	(v2sf) =	vpush v4, $0x5  }
0x4c: {  	(v2sf) =	vpush v3, $0x5  }
0x4d: {  	(v2sf) =	vpush v4, $0x6  }
0x4e: {  	(v2sf) =	vpush v3, $0x6  }
0x4f: {  	(v2sf) =	vpush v4, $0x7  }
0x50: {  	s30 =	spop (v2sf);
	(v2sf) =	vpush v3, $0x7  }
0x51: {  	s0 =	spop (v2sf);
	(v2sf) =	vpush v4, $0x8  }
0x52: {  	s23 =	spop (v2sf);
	(v2sf) =	vpush v3, $0x8  }
0x53: {  	s24 =	spop (v2sf);
	(v2sf) =	vpush v4, $0x9  }
0x54: {  	s25 =	spop (v2sf);
	(v2sf) =	vpush v3, $0x9  }
0x55: {  	s26 =	spop (v2sf);
	(v2sf) =	vpush v4, $0xA  }
0x56: {  	s31 =	spop (v2sf);
	(v2sf) =	vpush v3, $0xA  }
0x57: {  	s1 =	spop (v2sf);
	(v2sf) =	vpush v4, $0xB  }
0x58: {  	s12 =	spop (v2sf);
	(v2sf) =	vpush v3, $0xB  }
0x59: {  	s13 =	spop (v2sf);
	(v2sf) =	vpush v4, $0xC  }
0x5a: {  	s16 =	spop (v2sf);
	(v2sf) =	vpush v3, $0xC  }
0x5b: {  	s17 =	spop (v2sf);
	(v2sf) =	vpush v4, $0xD  }
0x5c: {  	s18 =	spop (v2sf);
	(v2sf) =	vpush v3, $0xD  }
0x5d: {  	s19 =	spop (v2sf);
	(v2sf) =	vpush v4, $0xE  }
0x5e: {  	s20 =	spop (v2sf);
	(v2sf) =	vpush v3, $0xE  }
0x5f: {  	s21 =	spop (v2sf);
	(v2sf) =	vpush v4, $0xF  }
0x60: {  	s22 =	spop (v2sf);
	(v2sf) =	vpush v3, $0xF  }
0x61: {  	[dreg:$0xc] =	wrdreg s23;
	s23 =	spop (v2sf)  }
0x62: {  	s2 =	spop (v2sf)  }
0x63: {  	s4 =	spop (v2sf)  }
0x64: {  	s5 =	spop (v2sf)  }
0x65: {  	s6 =	spop (v2sf)  }
0x66: {  	s7 =	spop (v2sf)  }
0x67: {  	s15 =	spop (v2sf)  }
0x68: {  	[dreg:$0xf] =	wrdreg s26;
	s26 =	spop (v2sf)  }
0x69: {  	s14 =	spop (v2sf)  }
0x6a: {  	[dreg:$0xb] =	wrdreg s0;
	s0 =	spop (v2sf)  }
0x6b: {  	[dreg:$0xe] =	wrdreg s25;
	s25 =	spop (v2sf)  }
0x6c: {  	[dreg:$0x10] =	wrdreg s31;
	s31 =	spop (v2sf)  }
0x6d: {  	s9 =	spop (v2sf)  }
0x6e: {  	[dreg:$0xd] =	wrdreg s24;
	s24 =	spop (v2sf)  }
0x6f: {  	s3 =	spop (v2sf)  }
0x70: {  	p0 =	sne.s32 s3, s30  }
0x71: {  	p1 =	sne.s32 @!p0 s24, s30  }
0x72: {  	p0 =	por p0, p1  }
0x73: {  	p1 =	sne.s32 @!p0 s9, s30  }
0x74: {  	p0 =	por p0, p1  }
0x75: {  	p1 =	sne.s32 @!p0 s31, s30  }
0x76: {  	p0 =	por p0, p1  }
0x77: {  	p1 =	sne.s32 @!p0 s25, s30  }
0x78: {  	p0 =	por p0, p1  }
0x79: {  	p1 =	sne.s32 @!p0 s0, s30  }
0x7a: {  	p0 =	por p0, p1  }
0x7b: {  	p1 =	sne.s32 @!p0 s14, s30  }
0x7c: {  	p0 =	por p0, p1  }
0x7d: {  	p1 =	sne.s32 @!p0 s26, s30  }
0x7e: {  	p0 =	por p0, p1  }
0x7f: {  	p1 =	sne.s32 @!p0 s15, s30  }
0x80: {  	p0 =	por p0, p1  }
0x81: {  	p1 =	sne.s32 @!p0 s7, s30  }
0x82: {  	p0 =	por p0, p1  }
0x83: {  	p1 =	sne.s32 @!p0 s6, s30  }
0x84: {  	p0 =	por p0, p1  }
0x85: {  	p1 =	sne.s32 @!p0 s5, s30  }
0x86: {  	p0 =	por p0, p1  }
0x87: {  	p1 =	sne.s32 @!p0 s4, s30  }
0x88: {  	p0 =	por p0, p1  }
0x89: {  	p1 =	sne.s32 @!p0 s2, s30  }
0x8a: {  	p0 =	por p0, p1  }
0x8b: {  	p1 =	sne.s32 @!p0 s23, s30  }
0x8c: {  	p0 =	por p0, p1  }
0x8d: {  	p1 =	sne.s32 @!p0 s22, s30  }
0x8e: {  	p0 =	por p0, p1  }
0x8f: {  	p1 =	sne.s32 @!p0 s21, s30  }
0x90: {  	p0 =	por p0, p1  }
0x91: {  	p1 =	sne.s32 @!p0 s20, s30  }
0x92: {  	p0 =	por p0, p1  }
0x93: {  	p1 =	sne.s32 @!p0 s19, s30  }
0x94: {  	p0 =	por p0, p1  }
0x95: {  	p1 =	sne.s32 @!p0 s18, s30  }
0x96: {  	p0 =	por p0, p1  }
0x97: {  	p1 =	sne.s32 @!p0 s17, s30  }
0x98: {  	p0 =	por p0, p1  }
0x99: {  	p1 =	sne.s32 @!p0 s16, s30  }
0x9a: {  	p0 =	por p0, p1  }
0x9b: {  	p1 =	sne.s32 @!p0 s13, s30  }
0x9c: {  	p0 =	por p0, p1  }
0x9d: {  	p1 =	sne.s32 @!p0 s12, s30  }
0x9e: {  	p0 =	por p0, p1  }
0x9f: {  	p1 =	sne.s32 @!p0 s1, s30  }
0xa0: {  	s0 =	rddreg [dreg:$0x10];
	p0 =	por p0, p1  }
0xa1: {  	p1 =	sne.s32 @!p0 s0, s30  }
0xa2: {  	s0 =	rddreg [dreg:$0xf];
	p0 =	por p0, p1  }
0xa3: {  	p1 =	sne.s32 @!p0 s0, s30  }
0xa4: {  	s0 =	rddreg [dreg:$0xe];
	p0 =	por p0, p1  }
0xa5: {  	p1 =	sne.s32 @!p0 s0, s30  }
0xa6: {  	s0 =	rddreg [dreg:$0xd];
	p0 =	por p0, p1  }
0xa7: {  	p1 =	sne.s32 @!p0 s0, s30  }
0xa8: {  	s0 =	rddreg [dreg:$0xc];
	p0 =	por p0, p1  }
0xa9: {  	p1 =	sne.s32 @!p0 s0, s30  }
0xaa: {  	s0 =	rddreg [dreg:$0xb];
	p0 =	por p0, p1  }
0xab: {  	p1 =	sne.s32 @!p0 s30, s0  }
0xac: {  	p0 =	por p0, p1  }
.Ltmp3:
0xad: {  	_ = 	snop;
	(pc) =	sbr.rel @p0 .LBB2_6-.Ltmp3, $3  }
0xae: {  	_ =	sdelay $0x1  }
0xaf: {  	[tilespmem:s28+$0x1000] =	vst v1  }
0xb0: {  	[tilespmem:s29+$0x1000] =	vst v2  }
0xb1: {  	s0 =	rddreg [dreg:$0x3];
	s1 =	simm.s32 $0x8  }
0xb2: {  	s2 =	simm.s32 $0x1000;
	s3 =	simm.s32 $0x1800;
	s22 =	simm.s32 $0x1  }
0xb3: {  	[tilespmem:s3], [sflag:$0x1] =	stream.indirect.gather [hbm4b:s0+s1], $0x8, s2, s1, $0xb8;
	[tilespmem:$0x7800] =	vst v63  }
0xb4: {  	_ =	swait.ge [sflag:s22], $0x40  }
0xb5: {  	[sflag:s22] =	ssyncset.done $0x0  }
0xb6: {  	s2 =	simm.s32 $0x1800;
	[sflag:s22] =	ssyncadd.s32 $0xFFFFFFC0  }
0xb7: {  	[spmem:s8] =	stream.linear.scatter [tilespmem:s2], [sflag:$0x2], $0x40, $0x38;
	[tilespmem:$0x7800] =	vst v63  }
0xb8: {  	_ =	swait.ge [sflag:s10], $0x40  }
0xb9: {  	[sflag:s10] =	ssyncset.done $0x0  }
0xba: {  	s23 =	simm.s32 $0x1840;
	[sflag:s10] =	ssyncadd.s32 $0xFFFFFFC0  }
0xbb: {  	[tilespmem:s23], [sflag:$0x2] =	stream.linear.gather [spmem:s8], $0x40, $0x38;
	[tilespmem:$0x7800] =	vst v63  }
0xbc: {  	_ =	swait.ge [sflag:s10], $0x40  }
0xbd: {  	[sflag:s10] =	ssyncset.done $0x0  }
0xbe: {  	[sflag:s10] =	ssyncadd.s32 $0xFFFFFFC0  }
0xbf: {  	[spmem:s8] =	stream.linear.scatter [tilespmem:s2], [sflag:$0x2], $0x80, $0x38;
	[tilespmem:$0x7800] =	vst v63  }
0xc0: {  	_ =	swait.ge [sflag:s10], $0x80  }
0xc1: {  	[sflag:s10] =	ssyncset.done $0x0  }
0xc2: {  	s24 =	simm.s32 $0x1880;
	[sflag:s10] =	ssyncadd.s32 $0xFFFFFF80  }
0xc3: {  	[tilespmem:s24], [sflag:$0x2] =	stream.linear.gather [spmem:s8], $0x80, $0x38;
	[tilespmem:$0x7800] =	vst v63  }
0xc4: {  	_ =	swait.ge [sflag:s10], $0x80  }
0xc5: {  	[sflag:s10] =	ssyncset.done $0x0  }
0xc6: {  	[sflag:s10] =	ssyncadd.s32 $0xFFFFFF80  }
0xc7: {  	[spmem:s8] =	stream.linear.scatter [tilespmem:s2], [sflag:$0x2], $0x100, $0x38;
	[tilespmem:$0x7800] =	vst v63  }
0xc8: {  	_ =	swait.ge [sflag:s10], $0x100  }
0xc9: {  	[sflag:s10] =	ssyncset.done $0x0  }
0xca: {  	s25 =	simm.s32 $0x1900;
	[sflag:s10] =	ssyncadd.s32 $0xFFFFFF00  }
0xcb: {  	[tilespmem:s25], [sflag:$0x2] =	stream.linear.gather [spmem:s8], $0x100, $0x38;
	[tilespmem:$0x7800] =	vst v63  }
0xcc: {  	_ =	swait.ge [sflag:s10], $0x100  }
0xcd: {  	[sflag:s10] =	ssyncset.done $0x0  }
0xce: {  	[sflag:s10] =	ssyncadd.s32 $0xFFFFFF00  }
0xcf: {  	[spmem:s8] =	stream.linear.scatter [tilespmem:s2], [sflag:$0x2], $0x200, $0x38;
	[tilespmem:$0x7800] =	vst v63  }
0xd0: {  	_ =	swait.ge [sflag:s10], $0x200  }
0xd1: {  	[sflag:s10] =	ssyncset.done $0x0  }
0xd2: {  	s26 =	simm.s32 $0x1A00;
	[sflag:s10] =	ssyncadd.s32 $0xFFFFFE00  }
0xd3: {  	[tilespmem:s26], [sflag:$0x2] =	stream.linear.gather [spmem:s8], $0x200, $0x38;
	[tilespmem:$0x7800] =	vst v63  }
0xd4: {  	_ =	swait.ge [sflag:s10], $0x200  }
0xd5: {  	[sflag:s10] =	ssyncset.done $0x0  }
0xd6: {  	[sflag:s10] =	ssyncadd.s32 $0xFFFFFE00  }
0xd7: {  	[spmem:s8] =	stream.linear.scatter [tilespmem:s2], [sflag:$0x2], $0x400, $0x38;
	[tilespmem:$0x7800] =	vst v63  }
0xd8: {  	_ =	swait.ge [sflag:s10], $0x400  }
0xd9: {  	[sflag:s10] =	ssyncset.done $0x0  }
0xda: {  	s28 =	simm.s32 $0x1C00;
	[sflag:s10] =	ssyncadd.s32 $0xFFFFFC00  }
0xdb: {  	[tilespmem:s28], [sflag:$0x2] =	stream.linear.gather [spmem:s8], $0x400, $0x38;
	[tilespmem:$0x7800] =	vst v63  }
0xdc: {  	_ =	swait.ge [sflag:s10], $0x400  }
0xdd: {  	[sflag:s10] =	ssyncset.done $0x0  }
0xde: {  	[sflag:s10] =	ssyncadd.s32 $0xFFFFFC00  }
0xdf: {  	[spmem:s8] =	stream.linear.scatter [tilespmem:s2], [sflag:$0x2], $0x800, $0x38;
	[tilespmem:$0x7800] =	vst v63  }
0xe0: {  	_ =	swait.ge [sflag:s10], $0x800  }
0xe1: {  	[sflag:s10] =	ssyncset.done $0x0  }
0xe2: {  	s29 =	simm.s32 $0x2000;
	[sflag:s10] =	ssyncadd.s32 $0xFFFFF800  }
0xe3: {  	[tilespmem:s29], [sflag:$0x2] =	stream.linear.gather [spmem:s8], $0x800, $0x38;
	[tilespmem:$0x7800] =	vst v63  }
0xe4: {  	_ =	swait.ge [sflag:s10], $0x800  }
0xe5: {  	[sflag:s10] =	ssyncset.done $0x0  }
0xe6: {  	[sflag:s10] =	ssyncadd.s32 $0xFFFFF800  }
0xe7: {  	[spmem:s8] =	stream.linear.scatter [tilespmem:s2], [sflag:$0x2], $0x1000, $0x38;
	[tilespmem:$0x7800] =	vst v63  }
0xe8: {  	_ =	swait.ge [sflag:s10], $0x1000  }
0xe9: {  	[sflag:s10] =	ssyncset.done $0x0  }
0xea: {  	s30 =	simm.s32 $0x2800;
	[sflag:s10] =	ssyncadd.s32 $0xFFFFF000  }
0xeb: {  	[tilespmem:s30], [sflag:$0x2] =	stream.linear.gather [spmem:s8], $0x1000, $0x38;
	[tilespmem:$0x7800] =	vst v63  }
0xec: {  	_ =	swait.ge [sflag:s10], $0x1000  }
0xed: {  	[sflag:s10] =	ssyncset.done $0x0  }
0xee: {  	[sflag:s10] =	ssyncadd.s32 $0xFFFFF000  }
0xef: {  	[spmem:s8] =	stream.linear.scatter [tilespmem:s2], [sflag:$0x2], $0x2000, $0x38;
	[tilespmem:$0x7800] =	vst v63  }
0xf0: {  	_ =	swait.ge [sflag:s10], $0x2000  }
0xf1: {  	[sflag:s10] =	ssyncset.done $0x0  }
0xf2: {  	s31 =	simm.s32 $0x3800;
	[sflag:s10] =	ssyncadd.s32 $0xFFFFE000  }
0xf3: {  	[tilespmem:s31], [sflag:$0x2] =	stream.linear.gather [spmem:s8], $0x2000, $0x38;
	[tilespmem:$0x7800] =	vst v63  }
0xf4: {  	_ =	swait.ge [sflag:s10], $0x2000  }
0xf5: {  	[sflag:s10] =	ssyncset.done $0x0  }
0xf6: {  	s0 =	rddreg [dreg:$0xa];
	[sflag:s10] =	ssyncadd.s32 $0xFFFFE000  }
.LBB2_7:
0xf7: {  	s0 =	sshll.u32 s0, $0xB;
	s1 =	rddreg [dreg:$0x6];
	s11 =	sadd.s32 $0x1, s11  }
0xf8: {  	s31 =	simm.s32 $0x0;
	s0 =	sadd.s32 s1, s0;
	p0 =	sne.s32 s11, $0x40  }
0xf9: {  	[hbm4b:s0+s31] =	stream.linear.scatter [tilespmem:s2], [sflag:$0x2], $0x4000, $0x38;
	[tilespmem:$0x7800] =	vst v63  }
.Ltmp4:
0xfa: {  	_ = 	snop;
	(pc) =	sbr.rel @p0 .LBB2_2-.Ltmp4, $4  }
.Ltmp5:
0xfb: {  	_ = 	snop;
	(pc) =	sbr.rel @!p0 .LBB2_8-.Ltmp5, $4  }
0xfc: {  	_ =	swait.ge [sflag:s10], $0x4000  }
0xfd: {  	[sflag:s10] =	ssyncset.done $0x0  }
0xfe: {  	[sflag:s10] =	ssyncadd.s32 $0xFFFFC000  }
0xff: {  	_ = 	snop  }
.LBB2_6:
0x100: {  	s0 =	rddreg [dreg:$0x3];
	s1 =	simm.s32 $0x800;
	s2 =	simm.s32 $0x1000  }
.Ltmp6:
0x101: {  	s3 =	simm.s32 $0x1800;
	s31 =	simm.s32 $0x1;
	(pc) =	sbr.rel .LBB2_7-.Ltmp6, $4  }
0x102: {  	[tilespmem:s3], [sflag:$0x1] =	stream.indirect.gather [hbm4b:s0+s1], $0x8, s2, s1, $0xb8;
	[tilespmem:$0x7800] =	vst v63  }
0x103: {  	_ =	swait.ge [sflag:s31], $0x4000  }
0x104: {  	[sflag:s31] =	ssyncset.done $0x0  }
0x105: {  	s2 =	simm.s32 $0x1800;
	s0 =	rddreg [dreg:$0xa];
	[sflag:s31] =	ssyncadd.s32 $0xFFFFC000  }
.LBB2_9:
0x106: {  	_ =	sfence.sel $0x180000  }
0x107: {  	[bflag:$0x0] =	sbarrier.arrive $0xFFFF  }
0x108: {  	_ =	strace $0x9000004D  }
0x109: {  	s0 =	stileid.u32;
	[bflag:$0x2] =	sbarrier.arrive $0xFFFF  }
0x10a: {  	p0 =	sne.s32 s0, $0x0;
	s0 =	rddreg [dreg:$0x2]  }
0x10b: {  	s0 =	sadd.s32 @!p0 $0x100000, s0  }
0x10c: {  	[sflag:s0] =	ssyncadd.tile.s32 @!p0 $0x1;
	_ =	shalt  }
.Lfunc_end2:
_tile_overlayer_lowered:
.L_overlay_start_2:
0x10d: {  	(tag) =	ssettag $0x2  }
0x10e: {  	s0 =	rddreg [dreg:$0x0];
	s2 =	stileid.u32  }
0x10f: {  	s1 =	rddreg [dreg:$0x1];
	p0 =	sne.s32 s2, $0x0  }
0x110: {  	s3 =	rddreg [dreg:$0x2];
	[bflag:$0x3] =	sbarrier.arrive $0xFFFF;
	s2 =	simm.s32 @!p0 $0x1C02  }
0x111: {  	[timem:s3], [sflag:s2] =	dma.local @!p0 [hbm:s0], s1  }
0x112: {  	s0 =	simm.s32 @!p0 $0x2  }
0x113: {  	_ =	swait.ge @!p0 [sflag:s0], s1  }
0x114: {  	s1 =	ssub.s32 @!p0 $0x0, s1;
	[sflag:s0] =	ssyncset.done @!p0 $0x0  }
0x115: {  	[sflag:s0] =	ssyncadd.s32 @!p0 s1  }
0x116: {  	[bflag:$0x3] =	sbarrier.arrive $0xFFFF  }
0x117: {  	_ =	shalt  }

// kernel: sparse-core-data-format-call.1.cloned.1.call-start
scs
called_computation.1_lowered:
.L_overlay_start_0:
0x0: {  	s1 =	sld [smem:$0x3FD9]  }
0x1: {  	s2 =	sld [smem:$0x3FFE];
	_ =	sdelay $0x1  }
0x2: {  	s3 =	srdreg.scid  }
0x3: {  	s0 =	sand.u32 $0x1, s3  }
0x4: {  	s17 =	sshll.u32 s0, $0xA;
	s1 =	sadd.s32 s2, s1  }
0x5: {  	s1 =	sadd.s32 s1, s17  }
0x6: {  	[smem:$0x3FC6] =	sst s1  }
0x7: {  	_ = 	snop  }
0x8: {  	(tm) =	ssettm $0x1  }
0x9: {  	s18 =	sld [smem:$0x3FFB];
	_ =	sdelay $0x3  }
0xa: {  	_ =	strace s18  }
0xb: {  	s1 =	sld [smem:$0x3FFC];
	_ =	sdelay $0x3  }
0xc: {  	_ =	strace s1  }
0xd: {  	s1 =	sld [smem:$0x3FFD];
	_ =	sdelay $0x3  }
0xe: {  	_ =	strace s1  }
0xf: {  	_ =	strace $0x8FFFFFFF  }
0x10: {  	s19 =	sld [smem:$0x3FDB];
	_ =	sdelay $0x1  }
0x11: {  	s20 =	simm.s32 $_scs_section_size  }
0x12: {  	s4 =	simm.s32 $_size__tile_overlayer_lowered;
	s5 =	simm.s32 $_tile_overlayer_lowered  }
0x13: {  	s23 =	simm.s32 $0x1BFF;
	s22 =	sshll.u32 s5, $0x1;
	s1 =	sadd.s32 s20, s19  }
0x14: {  	s6 =	simm.s32 $0x0;
	s21 =	sshll.u32 s4, $0x1;
	s4 =	sadd.s32 s22, s1  }
0x15: {  	[timem:s6], [sflag:s23] =	dma.local [hbm:s4], s21  }
0x16: {  	_ =	swait.ge [sflag:s23], s21  }
0x17: {  	s2 =	ssub.s32 $0x0, s21;
	[sflag:s23] =	ssyncset.done $0x0  }
0x18: {  	[sflag:s23] =	ssyncadd.s32 s2;
	_ =	sdelay $0x1  }
0x19: {  	s24 =	simm.s32 $0x1B8B  }
0x1a: {  	_ =	swait.ge [sflag:s24], $0x1  }
0x1b: {  	[sflag:s24] =	ssyncset.done $0x0  }
0x1c: {  	s26 =	simm.s32 $0x1B8E;
	s25 =	sld [smem:$0x3FFE];
	[sflag:s24] =	ssyncadd.s32 $0xFFFFFFFF  }
0x1d: {  	s27 =	simm.s32 $execute0_lowered;
	[smem:$0x3FD2] =	sst s26  }
0x1e: {  	s4 =	sshll.u32 s27, $0x1;
	_ =	strace $0x80000046;
	[dreg:$0x1] =	wrdreg $0xFFFFFFFF  }
0x1f: {  	s28 =	simm.s32 $_size_execute0_lowered;
	s1 =	sadd.s32 s1, s4;
	[dreg:$0x0] =	wrdreg $0x0  }
0x20: {  	s4 =	sshll.u32 s28, $0x1;
	[dreg:$0x2] =	wrdreg s1  }
0x21: {  	[dreg:$0x3] =	wrdreg s4  }
0x22: {  	[dreg:$0x4] =	wrdreg $0xC0  }
0x23: {  	_ =	task [dreg:s6], $0x5FFFF  }
0x24: {  	[dreg:$0x1] =	wrdreg $0xFFFFFFFF  }
0x25: {  	[dreg:$0x0] =	wrdreg $0x60  }
0x26: {  	[dreg:$0x2] =	wrdreg s25  }
0x27: {  	[dreg:$0x3] =	wrdreg $0x9  }
0x28: {  	_ =	task.clear_ibuf [dreg:s6], $0x4FFFF;
	_ =	strace $0x90000046  }
0x29: {  	s29 =	simm.s32 $0x9;
	_ =	strace $0x80000048  }
0x2a: {  	_ =	swait.ge [sflag:s29], $0x1  }
0x2b: {  	[sflag:s29] =	ssyncadd.s32 $0xFFFFFFFF  }
0x2c: {  	_ =	strace $0x90000048  }
0x2d: {  	_ =	sfence  }
0x2e: {  	s30 =	sld [smem:$0x0];
	_ =	sdelay $0x2  }
0x2f: {  	s31 =	sshll.u32 s3, $0xD;
	s3 =	sshrl.u32 s3, $0x2  }
0x30: {  	s2 =	sand.u32 $0x4000, s31;
	s1 =	sadd.s32 s3, s30  }
0x31: {  	s0 =	sor.u32 s2, s0;
	s1 =	sshll.u32 s1, $0x11  }
0x32: {  	s0 =	sor.u32 s1, s0  }
0x33: {  	s0 =	sadd.s32 $0x8F2B, s0  }
0x34: {  	[sflag:s0] =	ssyncadd.remote.s32 $0x1  }
0x35: {  	_ =	sfence.sel $0xFFFF  }
0x36: {  	[dreg:$0x0] =	wrdreg $0xFFFFFFFF;
	(pc) =	sbr.abs _section_cstart, $3  }
0x37: {  	[dreg:$0x1] =	wrdreg $0xFFFFFFFF  }
0x38: {  	_ =	task.clear_ibuf [dreg:s6], $0x2FFFF;
	_ =	strace $0x9FFFFFFF  }
0x39: {  	(tm) =	ssettm $0x7FFFFFFF  }
tec
execute0_lowered:
.L_overlay_start_1:
0x0: {  	(tag) =	ssettag $0x1  }
0x1: {  	s0 =	srdreg.scid;
	s5 =	rddreg [dreg:$0x0];
	s4 =	simm.s32 $0x1  }
0x2: {  	s8 =	simm.s32 $0x2;
	s13 =	simm.s32 $0x0;
	s1 =	sshll.u32 s0, $0x4  }
0x3: {  	s14 =	simm.s32 $0x0;
	s0 =	stileid.u32;
	s1 =	sand.u32 $0x10, s1  }
0x4: {  	s15 =	simm.s32 $0x0;
	s9 =	simm.s32 $0x0;
	s2 =	sor.u32 s0, s1  }
0x5: {  	s10 =	simm.s32 $0x0;
	s12 =	simm.s32 $0x0;
	s2 =	sshll.u32 s2, $0x3  }
0x6: {  	s3 =	sadd.s32 $0x84600, s5;
	s5 =	sadd.s32 $0x184600, s5;
	s6 =	ssub.s32 $0x800, s2  }
.Ltmp0:
0x7: {  	s1 =	rddreg [dreg:$0x1];
	s7 =	sand.u32 $0xF8, s6;
	(pc) =	sbr.rel .LBB1_1-.Ltmp0, $4  }
0x8: {  	_ =	strace $0x80000047;
	p0 =	sne.s32 s7, $0x0;
	s7 =	simm.s32 $0x1  }
0x9: {  	[sflag:s4] =	ssyncpa.u1 $0x0;
	s6 =	sshrl.u32 s6, $0x8;
	s7 =	simm.s32 @!p0 $0x0  }
0xa: {  	[sflag:s8] =	ssyncpa.u1 $0x0;
	s8 =	simm.s32 $0x400000;
	s7 =	sadd.s32 s7, s6  }
0xb: {  	s11 =	smov.u32 s2;
	s6 =	sshll.u32 s7, $0x1;
	s7 =	sshllo.u32 s7, $0x1  }
.LBB1_9:
0xc: {  	s16 =	sadd.s32 $0x400, s9  }
0xd: {  	s13 =	sadd.s32 $0x2, s10;
	s17 =	smov.u32 s10;
	p1 =	sgt.s32 s16, $0x7FF  }
0xe: {  	s17 =	smov.u32 @p1 s13  }
0xf: {  	s19 =	smov.u32 s11;
	s13 =	sadd.s32 $0x100, s11;
	p2 =	sgt.s32 s17, $0x1  }
0x10: {  	s19 =	smov.u32 @p2 s13  }
0x11: {  	s16 =	simm.s32 @p1 $0x0;
	p1 =	sgt.s32 s19, $0x7FF  }
0x12: {  	p0 =	slt.u32 s12, $0x2;
	s19 =	smov.u32 @p1 s2;
	p1 =	sne.s32 s12, s7  }
.Ltmp1:
0x13: {  	s18 =	simm.s32 @!p0 $0x2;
	(pc) =	sbr.rel @!p1 .LBB1_10-.Ltmp1, $4  }
0x14: {  	s14 =	smov.u32 s10;
	_ =	swait.ge @!p0 [sflag:s18], $0x4000  }
0x15: {  	s15 =	smov.u32 s11;
	[sflag:s18] =	ssyncset.done @!p0 $0x0;
	s17 =	simm.s32 @p2 $0x0  }
0x16: {  	s13 =	smov.u32 s9;
	[sflag:s18] =	ssyncadd.s32 @!p0 $0xFFFFC000;
	s9 =	smov.u32 s16  }
0x17: {  	s10 =	smov.u32 s17;
	s12 =	sadd.s32 $0x1, s12;
	s11 =	smov.u32 s19  }
.LBB1_1:
0x18: {  	p0 =	sge.u32 s12, s6  }
0x19: {  	s16 =	sshll.u32 @!p0 s10, $0x7  }
0x1a: {  	s17 =	sand.u32 @!p0 $0x78, s9;
	s18 =	sshll.u32 @!p0 s9, $0x1;
	s16 =	sand.u32 @!p0 $0x80, s16  }
0x1b: {  	s31 =	sadd.s32 $0xFFFFFFFF, s12;
	s18 =	sand.u32 @!p0 $0x700, s18;
	s16 =	sor.u32 @!p0 s16, s17  }
0x1c: {  	s17 =	sshll.u32 @!p0 s11, $0x9;
	s16 =	sor.u32 @!p0 s18, s16;
	s18 =	sshrl.u32 @!p0 s9, $0x2  }
0x1d: {  	s19 =	sxor.u32 @!p0 $0xFFFFFFFF, s12;
	s17 =	sadd.s32 @!p0 s3, s17;
	s18 =	sand.u32 @!p0 $0x100, s18  }
0x1e: {  	s19 =	sshll.u32 @!p0 s19, $0xE;
	s17 =	sadd.s32 @!p0 s18, s17;
	s18 =	sand.u32 @!p0 $0x7, s9  }
0x1f: {  	s19 =	sand.u32 @!p0 $0x4000, s19;
	s16 =	sshrl.u32 @!p0 s16, $0x3;
	s18 =	sshll.u32 @!p0 s18, $0x12  }
0x20: {  	s16 =	sadd.s32 @!p0 s16, s17;
	s17 =	sor.u32 @!p0 $0x800, s18;
	s18 =	simm.s32 @!p0 $0x1000  }
0x21: {  	[tilespmem:s19], [sflag:$0x1] =	stream.strided.gather @!p0 [hbm4b:s16+s17], $0x4000, s18, s17, $0x38;
	[tilespmem:$0x10000] =	vst v63  }
0x22: {  	p0 =	sge.u32 s31, s6  }
.Ltmp2:
0x23: {  	_ = 	snop;
	(pc) =	sbr.rel @p0 .LBB1_9-.Ltmp2, $1  }
0x24: {  	_ =	sdelay $0x3  }
0x25: {  	_ =	swait.ge [sflag:s4], $0x4000;
	s16 =	sshll.u32 s12, $0xE  }
0x26: {  	[sflag:s4] =	ssyncset.done $0x0;
	s17 =	sand.u32 $0x4000, s16  }
0x27: {  	s18 =	simm.s32 $0x0;
	[sflag:s4] =	ssyncadd.s32 $0xFFFFC000;
	s16 =	sor.u32 $0x8000, s17  }
.LBB1_3:
0x28: {  	s21 =	sshll.u32 s18, $0xB  }
0x29: {  	s22 =	sshll.u32 s18, $0x7;
	p1 =	por $0x1, $0x1;
	v1 =	vmov s21  }
0x2a: {  	s19 =	sadd.s32 s21, s17;
	s20 =	sadd.s32 s22, s16;
	v0 =	vmov s22;
	s21 =	simm.s32 $0x0  }
.LBB1_4:
0x2b: {  	s22 =	sshll.u32 s21, $0x7  }
0x2c: {  	s25 =	sadd.s32 s22, s19  }
0x2d: {  	v2 =	vmov s25  }
0x2e: {  	s24 =	sshll.u32 s21, $0xD;
	p0 =	por p1, p1;
	s23 =	simm.s32 $0x0  }
0x2f: {  	p1 =	por $0x1, $0x1;
	s21 =	sadd.s32 s24, s16;
	s22 =	sadd.s32 s22, s17;
	v3 =	vmov s24  }
.LBB1_5:
0x30: {  	s23 =	sshll.u32 s23, $0x3  }
0x31: {  	s24 =	sshra.s32 s23, $0x2  }
0x32: {  	v4 =	vld.idx.msk [tilespmem:v2+s24+$0x0 ss:$0x1], $0xffff;
	s24 =	sadd.s32 s24, s22  }
0x33: {  	v5 =	vld.idx.msk [tilespmem:v1+s24+$0x10 ss:$0x1], $0xffff  }
0x34: {  	v6 =	vld.idx.msk [tilespmem:v1+s24+$0x20 ss:$0x1], $0xffff  }
0x35: {  	s23 =	sand.u32 $0x3FFFFFF8, s23;
	v7 =	vld.idx.msk [tilespmem:v1+s24+$0x30 ss:$0x1], $0xffff  }
0x36: {  	s25 =	sadd.s32 s23, s21;
	v8 =	vld.idx.msk [tilespmem:v1+s24+$0x40 ss:$0x1], $0xffff  }
0x37: {  	s23 =	sadd.s32 s23, s20;
	[tilespmem:v0+s25+$0x0 ss:$0x1] =	vst.idx.msk $0xffff, v4;
	v4 =	vld.idx.msk [tilespmem:v1+s24+$0x50 ss:$0x1], $0xffff  }
0x38: {  	[tilespmem:v3+s23+$0x10 ss:$0x1] =	vst.idx.msk $0xffff, v5;
	v5 =	vld.idx.msk [tilespmem:v1+s24+$0x60 ss:$0x1], $0xffff  }
0x39: {  	v49 =	vld.idx.msk [tilespmem:v1+s24+$0x70 ss:$0x1], $0xffff;
	[tilespmem:v3+s23+$0x20 ss:$0x1] =	vst.idx.msk $0xffff, v6  }
0x3a: {  	v50 =	vld.idx.msk [tilespmem:v1+s24+$0x100 ss:$0x1], $0xffff;
	[tilespmem:v3+s23+$0x30 ss:$0x1] =	vst.idx.msk $0xffff, v7  }
0x3b: {  	v51 =	vld.idx.msk [tilespmem:v1+s24+$0x110 ss:$0x1], $0xffff;
	[tilespmem:v3+s23+$0x40 ss:$0x1] =	vst.idx.msk $0xffff, v8  }
0x3c: {  	[tilespmem:v3+s23+$0x50 ss:$0x1] =	vst.idx.msk $0xffff, v4;
	v4 =	vld.idx.msk [tilespmem:v1+s24+$0x120 ss:$0x1], $0xffff  }
0x3d: {  	[tilespmem:v3+s23+$0x60 ss:$0x1] =	vst.idx.msk $0xffff, v5;
	v5 =	vld.idx.msk [tilespmem:v1+s24+$0x130 ss:$0x1], $0xffff  }
0x3e: {  	v52 =	vld.idx.msk [tilespmem:v1+s24+$0x140 ss:$0x1], $0xffff;
	[tilespmem:v3+s23+$0x70 ss:$0x1] =	vst.idx.msk $0xffff, v49  }
0x3f: {  	v53 =	vld.idx.msk [tilespmem:v1+s24+$0x150 ss:$0x1], $0xffff;
	[tilespmem:v0+s25+$0x400 ss:$0x1] =	vst.idx.msk $0xffff, v50  }
0x40: {  	v54 =	vld.idx.msk [tilespmem:v1+s24+$0x160 ss:$0x1], $0xffff;
	[tilespmem:v3+s23+$0x410 ss:$0x1] =	vst.idx.msk $0xffff, v51  }
0x41: {  	[tilespmem:v3+s23+$0x420 ss:$0x1] =	vst.idx.msk $0xffff, v4;
	v4 =	vld.idx.msk [tilespmem:v1+s24+$0x170 ss:$0x1], $0xffff  }
0x42: {  	[tilespmem:v3+s23+$0x430 ss:$0x1] =	vst.idx.msk $0xffff, v5;
	v5 =	vld.idx.msk [tilespmem:v1+s24+$0x200 ss:$0x1], $0xffff  }
0x43: {  	v55 =	vld.idx.msk [tilespmem:v1+s24+$0x210 ss:$0x1], $0xffff;
	[tilespmem:v3+s23+$0x440 ss:$0x1] =	vst.idx.msk $0xffff, v52  }
0x44: {  	v56 =	vld.idx.msk [tilespmem:v1+s24+$0x220 ss:$0x1], $0xffff;
	[tilespmem:v3+s23+$0x450 ss:$0x1] =	vst.idx.msk $0xffff, v53  }
0x45: {  	v57 =	vld.idx.msk [tilespmem:v1+s24+$0x230 ss:$0x1], $0xffff;
	[tilespmem:v3+s23+$0x460 ss:$0x1] =	vst.idx.msk $0xffff, v54  }
0x46: {  	[tilespmem:v3+s23+$0x470 ss:$0x1] =	vst.idx.msk $0xffff, v4;
	v4 =	vld.idx.msk [tilespmem:v1+s24+$0x240 ss:$0x1], $0xffff  }
0x47: {  	[tilespmem:v0+s25+$0x800 ss:$0x1] =	vst.idx.msk $0xffff, v5;
	v5 =	vld.idx.msk [tilespmem:v1+s24+$0x250 ss:$0x1], $0xffff  }
0x48: {  	v58 =	vld.idx.msk [tilespmem:v1+s24+$0x260 ss:$0x1], $0xffff;
	[tilespmem:v3+s23+$0x810 ss:$0x1] =	vst.idx.msk $0xffff, v55  }
0x49: {  	v59 =	vld.idx.msk [tilespmem:v1+s24+$0x270 ss:$0x1], $0xffff;
	[tilespmem:v3+s23+$0x820 ss:$0x1] =	vst.idx.msk $0xffff, v56  }
0x4a: {  	v60 =	vld.idx.msk [tilespmem:v1+s24+$0x300 ss:$0x1], $0xffff;
	[tilespmem:v3+s23+$0x830 ss:$0x1] =	vst.idx.msk $0xffff, v57  }
0x4b: {  	[tilespmem:v3+s23+$0x840 ss:$0x1] =	vst.idx.msk $0xffff, v4;
	v4 =	vld.idx.msk [tilespmem:v1+s24+$0x310 ss:$0x1], $0xffff  }
0x4c: {  	[tilespmem:v3+s23+$0x850 ss:$0x1] =	vst.idx.msk $0xffff, v5;
	v5 =	vld.idx.msk [tilespmem:v1+s24+$0x320 ss:$0x1], $0xffff  }
0x4d: {  	v61 =	vld.idx.msk [tilespmem:v1+s24+$0x330 ss:$0x1], $0xffff;
	[tilespmem:v3+s23+$0x860 ss:$0x1] =	vst.idx.msk $0xffff, v58  }
0x4e: {  	v62 =	vld.idx.msk [tilespmem:v1+s24+$0x340 ss:$0x1], $0xffff;
	[tilespmem:v3+s23+$0x870 ss:$0x1] =	vst.idx.msk $0xffff, v59  }
0x4f: {  	v63 =	vld.idx.msk [tilespmem:v1+s24+$0x350 ss:$0x1], $0xffff;
	[tilespmem:v0+s25+$0xC00 ss:$0x1] =	vst.idx.msk $0xffff, v60  }
0x50: {  	[tilespmem:v3+s23+$0xC10 ss:$0x1] =	vst.idx.msk $0xffff, v4;
	v4 =	vld.idx.msk [tilespmem:v1+s24+$0x360 ss:$0x1], $0xffff  }
0x51: {  	p2 =	por p1, p1;
	[tilespmem:v3+s23+$0xC20 ss:$0x1] =	vst.idx.msk $0xffff, v5;
	v5 =	vld.idx.msk [tilespmem:v1+s24+$0x370 ss:$0x1], $0xffff  }
.Ltmp3:
0x52: {  	[tilespmem:v3+s23+$0xC30 ss:$0x1] =	vst.idx.msk $0xffff, v61;
	(pc) =	sbr.rel @p2 .LBB1_5-.Ltmp3, $4  }
0x53: {  	[tilespmem:v3+s23+$0xC40 ss:$0x1] =	vst.idx.msk $0xffff, v62  }
0x54: {  	[tilespmem:v3+s23+$0xC50 ss:$0x1] =	vst.idx.msk $0xffff, v63  }
0x55: {  	[tilespmem:v3+s23+$0xC60 ss:$0x1] =	vst.idx.msk $0xffff, v4  }
0x56: {  	p1 =	por $0x0, $0x0;
	[tilespmem:v3+s23+$0xC70 ss:$0x1] =	vst.idx.msk $0xffff, v5;
	s23 =	simm.s32 $0x200  }
.Ltmp4:
0x57: {  	(pc) =	sbr.rel @p0 .LBB1_4-.Ltmp4, $2  }
0x58: {  	_ =	sdelay $0x2  }
0x59: {  	s21 =	simm.s32 $0x1;
	p1 =	por $0x0, $0x0  }
0x5a: {  	s18 =	sadd.s32 $0x1, s18  }
0x5b: {  	p0 =	sne.s32 s18, $0x8  }
.Ltmp5:
0x5c: {  	_ = 	snop;
	(pc) =	sbr.rel @p0 .LBB1_3-.Ltmp5, $1  }
0x5d: {  	_ =	sdelay $0x3  }
0x5e: {  	s17 =	sand.u32 $0x78, s13  }
0x5f: {  	s18 =	sshll.u32 s15, $0xB;
	s29 =	sshll.u32 s15, $0x7;
	s19 =	sshll.u32 s13, $0x3  }
0x60: {  	s14 =	sshll.u32 s14, $0x13;
	s31 =	sand.u32 $0x7, s13;
	s18 =	sand.u32 $0x3FC000, s18  }
0x61: {  	s15 =	sand.u32 $0x380, s29;
	s18 =	sadd.s32 s18, s19;
	s19 =	sand.u32 $0x400, s19  }
.Ltmp6:
0x62: {  	s15 =	sor.u32 s15, s17;
	s30 =	sshrl.u32 s18, $0x3;
	(pc) =	sbr.rel .LBB1_9-.Ltmp6, $4  }
0x63: {  	s14 =	sadd.s32 s5, s14;
	s15 =	sor.u32 s19, s15;
	s17 =	sand.u32 $0x7FF00, s30  }
0x64: {  	s13 =	sshll.u32 s31, $0x12;
	s15 =	sshrl.u32 s15, $0x3;
	s14 =	sadd.s32 s17, s14  }
0x65: {  	s13 =	sor.u32 $0x2000, s13;
	s14 =	sadd.s32 s15, s14  }
0x66: {  	[hbm4b:s14+s13] =	stream.strided.scatter [tilespmem:s16], [sflag:$0x2], $0x4000, s8, s13, $0x38;
	[tilespmem:$0x10000] =	vst v63  }
.LBB1_10:
0x67: {  	_ =	sfence.sel $0x180000  }
0x68: {  	s2 =	simm.s32 $0x1;
	[bflag:$0x0] =	sbarrier.arrive $0xFFFF  }
0x69: {  	s31 =	simm.s32 $0x2;
	[sflag:s2] =	ssyncpa.u1 $0x1  }
0x6a: {  	[sflag:s31] =	ssyncpa.u1 $0x1  }
0x6b: {  	p0 =	sne.s32 s0, $0x0;
	_ =	strace $0x90000047  }
0x6c: {  	s0 =	sadd.s32 @!p0 $0x100000, s1;
	[bflag:$0x2] =	sbarrier.arrive $0xFFFF  }
0x6d: {  	[sflag:s0] =	ssyncadd.tile.s32 @!p0 $0x1;
	_ =	shalt  }
.Lfunc_end1:
_tile_overlayer_lowered:
.L_overlay_start_2:
0x6e: {  	(tag) =	ssettag $0x2  }
0x6f: {  	s0 =	rddreg [dreg:$0x0];
	s2 =	stileid.u32  }
0x70: {  	s1 =	rddreg [dreg:$0x1];
	p0 =	sne.s32 s2, $0x0  }
0x71: {  	s3 =	rddreg [dreg:$0x2];
	[bflag:$0x3] =	sbarrier.arrive $0xFFFF;
	s2 =	simm.s32 @!p0 $0x1C01  }
0x72: {  	[timem:s3], [sflag:s2] =	dma.local @!p0 [hbm:s0], s1  }
0x73: {  	s0 =	simm.s32 @!p0 $0x1  }
0x74: {  	_ =	swait.ge @!p0 [sflag:s0], s1  }
0x75: {  	s1 =	ssub.s32 @!p0 $0x0, s1;
	[sflag:s0] =	ssyncset.done @!p0 $0x0  }
0x76: {  	[sflag:s0] =	ssyncadd.s32 @!p0 s1  }
0x77: {  	[bflag:$0x3] =	sbarrier.arrive $0xFFFF  }
0x78: {  	_ =	shalt  }

// kernel: sparse-core-data-format-call.2.cloned.1.call-start
scs
called_computation.2_lowered:
.L_overlay_start_0:
0x0: {  	s2 =	sld [smem:$0x3FD9]  }
0x1: {  	s3 =	sld [smem:$0x3FFE];
	_ =	sdelay $0x1  }
0x2: {  	s1 =	srdreg.scid  }
0x3: {  	s0 =	sand.u32 $0x1, s1  }
0x4: {  	s18 =	sshll.u32 s0, $0xA;
	s2 =	sadd.s32 s3, s2  }
0x5: {  	s2 =	sadd.s32 s2, s18  }
0x6: {  	[smem:$0x3FC6] =	sst s2  }
0x7: {  	_ = 	snop  }
0x8: {  	(tm) =	ssettm $0x1  }
0x9: {  	s19 =	sld [smem:$0x3FFB];
	_ =	sdelay $0x3  }
0xa: {  	_ =	strace s19  }
0xb: {  	s2 =	sld [smem:$0x3FFC];
	_ =	sdelay $0x3  }
0xc: {  	_ =	strace s2  }
0xd: {  	s2 =	sld [smem:$0x3FFD];
	_ =	sdelay $0x3  }
0xe: {  	_ =	strace s2  }
0xf: {  	_ =	strace $0x8FFFFFFF  }
0x10: {  	s20 =	sld [smem:$0x3FDB];
	_ =	sdelay $0x1  }
0x11: {  	s21 =	simm.s32 $_scs_section_size  }
0x12: {  	s4 =	simm.s32 $_size__tile_overlayer_lowered;
	s5 =	simm.s32 $_tile_overlayer_lowered  }
0x13: {  	s6 =	simm.s32 $0x1BFF;
	s22 =	sshll.u32 s5, $0x1;
	s3 =	sadd.s32 s21, s20  }
0x14: {  	s23 =	simm.s32 $0x0;
	s4 =	sshll.u32 s4, $0x1;
	s5 =	sadd.s32 s22, s3  }
0x15: {  	[timem:s23], [sflag:s6] =	dma.local [hbm:s5], s4  }
0x16: {  	_ =	swait.ge [sflag:s6], s4  }
0x17: {  	s4 =	ssub.s32 $0x0, s4;
	[sflag:s6] =	ssyncset.done $0x0  }
0x18: {  	[sflag:s6] =	ssyncadd.s32 s4;
	_ =	sdelay $0x1  }
0x19: {  	s24 =	simm.s32 $0x1B8B  }
0x1a: {  	_ =	swait.ge [sflag:s24], $0x1  }
0x1b: {  	[sflag:s24] =	ssyncset.done $0x0  }
0x1c: {  	[sflag:s24] =	ssyncadd.s32 $0xFFFFFFFF  }
0x1d: {  	s4 =	sld [smem:$0x0]  }
0x1e: {  	s5 =	sand.u32 $0xFFFFFFFE, s1  }
0x1f: {  	p0 =	sne.s32 s1, s5  }
0x20: {  	s5 =	sshll.u32 @p0 s5, $0xE  }
0x21: {  	s5 =	sadd.s32 @p0 $0x11B8D, s5;
	s6 =	sshll.u32 @p0 s4, $0x11  }
0x22: {  	s5 =	sor.u32 @p0 s6, s5  }
0x23: {  	[sflag:s5] =	ssyncadd.remote.s32 @p0 $0x1;
	_ =	sdelay $0x1  }
0x24: {  	s5 =	simm.s32 @p0 $0x1B8D  }
0x25: {  	_ =	swait.eq @p0 [sflag:s5], $0x1  }
0x26: {  	[sflag:s5] =	ssyncadd.s32 @p0 $0xFFFFFFFF  }
0x27: {  	s6 =	sshll.u32 @!p0 s1, $0xE  }
0x28: {  	s6 =	sor.u32 @!p0 $0x4000, s6;
	s5 =	simm.s32 @!p0 $0x1B8D  }
0x29: {  	s4 =	sshll.u32 @!p0 s4, $0x11;
	s6 =	sadd.s32 @!p0 $0x11B8D, s6;
	_ =	swait.eq @!p0 [sflag:s5], $0x1  }
0x2a: {  	s4 =	sor.u32 @!p0 s4, s6;
	[sflag:s5] =	ssyncadd.s32 @!p0 $0xFFFFFFFF  }
0x2b: {  	s26 =	simm.s32 $0x1B8E;
	s25 =	sld [smem:$0x3FFE];
	[sflag:s4] =	ssyncadd.remote.s32 @!p0 $0x1  }
0x2c: {  	s27 =	simm.s32 $execute0_lowered;
	[smem:$0x3FD2] =	sst s26  }
0x2d: {  	s5 =	sshll.u32 s27, $0x1;
	_ =	strace $0x80000049;
	[dreg:$0x1] =	wrdreg $0xFFFFFFFF  }
0x2e: {  	s28 =	simm.s32 $_size_execute0_lowered;
	s3 =	sadd.s32 s3, s5;
	[dreg:$0x0] =	wrdreg $0x0  }
0x2f: {  	s5 =	sshll.u32 s28, $0x1;
	[dreg:$0x2] =	wrdreg s3  }
0x30: {  	[dreg:$0x3] =	wrdreg s5  }
0x31: {  	[dreg:$0x4] =	wrdreg $0xC0  }
0x32: {  	_ =	task [dreg:s23], $0x5FFFF  }
0x33: {  	[dreg:$0x1] =	wrdreg $0xFFFFFFFF  }
0x34: {  	[dreg:$0x0] =	wrdreg $0x60  }
0x35: {  	[dreg:$0x2] =	wrdreg s25  }
0x36: {  	[dreg:$0x3] =	wrdreg $0xA  }
0x37: {  	_ =	task.clear_ibuf [dreg:s23], $0x4FFFF;
	_ =	strace $0x90000049  }
0x38: {  	s29 =	simm.s32 $0xA;
	_ =	strace $0x8000004B  }
0x39: {  	_ =	swait.ge [sflag:s29], $0x1  }
0x3a: {  	[sflag:s29] =	ssyncadd.s32 $0xFFFFFFFF  }
0x3b: {  	_ =	strace $0x9000004B  }
0x3c: {  	_ =	sfence  }
0x3d: {  	s30 =	sld [smem:$0x0];
	_ =	sdelay $0x2  }
0x3e: {  	s31 =	sshll.u32 s1, $0xD;
	s1 =	sshrl.u32 s1, $0x2  }
0x3f: {  	s4 =	sand.u32 $0x4000, s31;
	s1 =	sadd.s32 s1, s30  }
0x40: {  	s0 =	sor.u32 s4, s0;
	s1 =	sshll.u32 s1, $0x11  }
0x41: {  	s0 =	sor.u32 s1, s0  }
0x42: {  	s0 =	sadd.s32 $0x8F2B, s0  }
0x43: {  	[sflag:s0] =	ssyncadd.remote.s32 $0x1  }
0x44: {  	_ =	sfence.sel $0xFFFF  }
0x45: {  	[dreg:$0x0] =	wrdreg $0xFFFFFFFF;
	(pc) =	sbr.abs _section_cstart, $3  }
0x46: {  	[dreg:$0x1] =	wrdreg $0xFFFFFFFF  }
0x47: {  	_ =	task.clear_ibuf [dreg:s23], $0x2FFFF;
	_ =	strace $0x9FFFFFFF  }
0x48: {  	(tm) =	ssettm $0x7FFFFFFF  }
0x49: {  	_ =	shalt  }
tec
execute0_lowered:
.L_overlay_start_1:
0x0: {  	(tag) =	ssettag $0x1  }
0x1: {  	s0 =	srdreg.scid  }
0x2: {  	s5 =	rddreg [dreg:$0x0];
	s1 =	stileid.u32;
	s4 =	simm.s32 $0x1  }
0x3: {  	s6 =	simm.s32 $0x2;
	s15 =	simm.s32 $0x0;
	p0 =	por $0x0, $0x0  }
0x4: {  	s8 =	simm.s32 $0x80;
	s14 =	simm.s32 $0x0;
	s2 =	sshll.u32 s0, $0x4  }
0x5: {  	s9 =	simm.s32 $0x0;
	s10 =	simm.s32 $0x0;
	s2 =	sand.u32 $0x10, s2  }
.Ltmp0:
0x6: {  	s12 =	simm.s32 $0x0;
	s3 =	sor.u32 s1, s2;
	(pc) =	sbr.rel .LBB1_1-.Ltmp0, $4  }
0x7: {  	s0 =	rddreg [dreg:$0x1];
	_ =	strace $0x8000004A;
	s3 =	sshll.u32 s3, $0x7  }
0x8: {  	s13 =	simm.s32 $0x0;
	[sflag:s4] =	ssyncpa.u1 $0x0;
	s7 =	ssub.s32 $0x401000, s3  }
0x9: {  	s2 =	sadd.s32 $0x686000, s5;
	[sflag:s6] =	ssyncpa.u1 $0x0;
	s6 =	sshrl.u32 s7, $0xC  }
0xa: {  	s5 =	sadd.s32 $0xA87200, s5;
	s11 =	smov.u32 s3;
	s7 =	sor.u32 $0x2, s6  }
.LBB1_5:
0xb: {  	p1 =	slt.u32 s13, $0x2  }
0xc: {  	s17 =	smov.u32 s15;
	p2 =	sgt.s32 @!p1 s15, $0x400F88;
	s16 =	sshra.s32 @!p1 s15, $0x1F  }
0xd: {  	p3 =	sgt.s32 @!p1 s14, $0x78;
	s18 =	sshra.s32 @!p1 s14, $0x1F;
	p2 =	por !p2, p1  }
0xe: {  	s15 =	sand.u32 @!p1 s16, s15;
	p3 =	por !p3, p1;
	s16 =	smov.u32 s14  }
0xf: {  	s14 =	sand.u32 @!p1 s18, s14;
	s17 =	simm.s32 @p2 $0x400F88;
	s16 =	simm.s32 @p3 $0x78  }
0x10: {  	s15 =	ssub.s32 @!p1 s17, s15;
	s14 =	ssub.s32 @!p1 s16, s14  }
0x11: {  	s18 =	smov.u32 s12;
	s16 =	sadd.s32 @!p1 $0xFFBFF078, s15;
	s17 =	sadd.s32 @!p1 $0xFFFFFF88, s14  }
0x12: {  	s15 =	ssub.s32 @!p1 $0x401008, s15;
	p2 =	sgt.s32 @!p1 s16, $0x7F;
	p3 =	sgt.s32 @!p1 s17, $0x7  }
0x13: {  	s14 =	ssub.s32 @!p1 $0x80, s14;
	p2 =	por !p2, p1;
	p3 =	por !p3, p1  }
0x14: {  	s16 =	sadd.s32 $0x1000, s11;
	s15 =	simm.s32 @!p2 $0x0;
	s14 =	simm.s32 @!p3 $0x0  }
0x15: {  	p2 =	sgt.s32 s16, $0x401000;
	s14 =	smul.u32 @!p1 s14, s15;
	s15 =	sadd.s32 $0x8, s12  }
0x16: {  	s18 =	smov.u32 @p2 s15  }
0x17: {  	s16 =	smov.u32 @p2 s3;
	p2 =	sgt.s32 s18, $0x7  }
0x18: {  	s18 =	simm.s32 @p2 $0x0;
	p2 =	sne.s32 s13, s7  }
.Ltmp1:
0x19: {  	p0 =	por !p0, !p0;
	s17 =	simm.s32 @!p1 $0x2;
	(pc) =	sbr.rel @!p2 .LBB1_6-.Ltmp1, $4  }
0x1a: {  	s15 =	smov.u32 s9;
	s9 =	smov.u32 s11;
	s14 =	sand.u32 @!p1 $0x3FFFFFFF, s14  }
0x1b: {  	s11 =	smov.u32 s16;
	_ =	swait.ge @!p1 [sflag:s17], s14;
	s19 =	ssub.s32 @!p1 $0x0, s14  }
0x1c: {  	s14 =	smov.u32 s10;
	s13 =	sadd.s32 $0x1, s13;
	[sflag:s17] =	ssyncset.done @!p1 $0x0  }
0x1d: {  	s10 =	smov.u32 s12;
	s12 =	smov.u32 s18;
	[sflag:s17] =	ssyncadd.s32 @!p1 s19  }
.LBB1_1:
0x1e: {  	p1 =	sgt.u32 s13, s6  }
0x1f: {  	s16 =	sshrl.u32 @!p1 s12, $0x3  }
0x20: {  	s17 =	sshll.u32 @!p1 s11, $0x3;
	s16 =	smul.u32 @!p1 $0x2008400, s16  }
0x21: {  	s18 =	sshll.u32 @!p1 s12, $0x7;
	s17 =	sand.u32 @!p1 $0xFFFFFC00, s17  }
0x22: {  	s16 =	sadd.s32 @!p1 s16, s17;
	s17 =	sand.u32 @!p1 $0x380, s18  }
0x23: {  	s18 =	sand.u32 @!p1 $0x7F, s11;
	s16 =	sor.u32 @!p1 s17, s16  }
0x24: {  	s17 =	sor.u32 @!p1 s18, s16  }
0x25: {  	s18 =	smulhi.u32 @!p1 $0xFFBE11, s17;
	_ =	sdelay $0x1  }
0x26: {  	s16 =	smulhi.u32 @!p1 $0xFFBE11, s16;
	s18 =	sshrl.u32 @!p1 s18, $0xE  }
0x27: {  	s18 =	smul.u32 @!p1 $0x401080, s18  }
0x28: {  	s16 =	sshrl.u32 @!p1 s16, $0xE  }
0x29: {  	s16 =	sand.u32 @!p1 $0x7, s16;
	s17 =	ssub.s32 @!p1 s17, s18  }
0x2a: {  	s16 =	smul.u32 @!p1 $0x80210, s16;
	s18 =	sxor.u32 @!p1 $0xFFFFFFFF, s13;
	s19 =	sshrl.u32 @!p1 s17, $0x3  }
0x2b: {  	s18 =	sshll.u32 @!p1 s18, $0xA;
	s19 =	sadd.s32 @!p1 s2, s19  }
0x2c: {  	s17 =	sand.u32 @!p1 $0x7, s17;
	s18 =	sand.u32 @!p1 $0x400, s18;
	s16 =	sadd.s32 @!p1 s16, s19  }
0x2d: {  	[tilespmem:s18], [sflag:$0x1] =	stream.linear.gather @!p1 [hbm4b:s16+s17], $0x400, $0x38;
	[tilespmem:$0x1100] =	vst v63  }
0x2e: {  	p1 =	seq.s32 s13, $0x0  }
0x2f: {  	p2 =	sge.u32 @!p1 s13, s7  }
0x30: {  	p1 =	por p1, p2  }
.Ltmp2:
0x31: {  	_ = 	snop;
	(pc) =	sbr.rel @p1 .LBB1_5-.Ltmp2, $1  }
0x32: {  	_ =	sdelay $0x3  }
0x33: {  	s16 =	simm.s32 $0x1  }
0x34: {  	_ =	swait.ge [sflag:s4], $0x400;
	s16 =	simm.s32 @!p0 $0x0  }
0x35: {  	[sflag:s4] =	ssyncset.done $0x0;
	s17 =	sshll.u32 s16, $0xA  }
0x36: {  	[sflag:s4] =	ssyncadd.s32 $0xFFFFFC00;
	s18 =	sor.u32 $0x40, s17  }
0x37: {  	s16 =	smul.u32 $0x1200, s16;
	v0 =	vld [tilespmem:s18+$0x30]  }
0x38: {  	v1 =	vld [tilespmem:s18+$0xFFFFFFD0]  }
0x39: {  	s16 =	sshrl.u32 s16, $0x2;
	v5 =	vld [tilespmem:s18+$0xFFFFFFE0]  }
0x3a: {  	v6 =	vld [tilespmem:s18+$0xFFFFFFF0];
	s19 =	sor.u32 $0x800, s16  }
0x3b: {  	s31 =	sand.u32 $0x1, s13;
	v4 =	vld [tilespmem:s18+$0x0];
	s17 =	sadd.s32 $0x0, s19  }
0x3c: {  	v3 =	vld [tilespmem:s18+$0x10];
	s16 =	smul.u32 $0x1200, s31;
	[tilespmem:s17+$0x3F0 ss:$0x9] =	vst.msk $0xffff, v0  }
0x3d: {  	v2 =	vld [tilespmem:s18+$0x20];
	[tilespmem:s17+$0x90 ss:$0x9] =	vst.msk $0xffff, v1  }
0x3e: {  	s16 =	sshrl.u32 s16, $0x2;
	v1 =	vld [tilespmem:s18+$0xFFFFFFC0];
	[tilespmem:s17+$0x120 ss:$0x9] =	vst.msk $0xffff, v5;
	s18 =	sadd.s32 $0x80, s18  }
0x3f: {  	s20 =	simm.s32 $0x4;
	s21 =	simm.s32 $0x8;
	s16 =	sor.u32 $0x800, s16;
	[tilespmem:s17+$0x1B0 ss:$0x9] =	vst.msk $0xffff, v6;
	v0 =	vld [tilespmem:s18+$0x30]  }
.LBB1_3:
0x40: {  	p1 =	sne.s32 s21, $0x1C;
	v5 =	vld [tilespmem:s18+$0xFFFFFFD0];
	[tilespmem:s17+$0x240 ss:$0x9] =	vst.msk $0xffff, v4  }
0x41: {  	v6 =	vld [tilespmem:s18+$0xFFFFFFE0];
	[tilespmem:s17+$0x2D0 ss:$0x9] =	vst.msk $0xffff, v3  }
0x42: {  	s22 =	sshra.s32 s20, $0x2;
	s20 =	smov.u32 s21;
	v7 =	vld [tilespmem:s18+$0xFFFFFFF0];
	[tilespmem:s17+$0x360 ss:$0x9] =	vst.msk $0xffff, v2  }
.Ltmp3:
0x43: {  	v4 =	vld [tilespmem:s18+$0x0];
	[tilespmem:s17+$0x0 ss:$0x9] =	vst.msk $0xffff, v1;
	s17 =	sadd.s32 s22, s19;
	(pc) =	sbr.rel @p1 .LBB1_3-.Ltmp3, $4  }
0x44: {  	v3 =	vld [tilespmem:s18+$0x10];
	[tilespmem:s17+$0x3F0 ss:$0x9] =	vst.msk $0xffff, v0  }
0x45: {  	[tilespmem:s17+$0x90 ss:$0x9] =	vst.msk $0xffff, v5;
	v2 =	vld [tilespmem:s18+$0x20]  }
0x46: {  	v1 =	vld [tilespmem:s18+$0xFFFFFFC0];
	[tilespmem:s17+$0x120 ss:$0x9] =	vst.msk $0xffff, v6;
	s18 =	sadd.s32 $0x80, s18  }
0x47: {  	s21 =	sadd.s32 $0x4, s21;
	v0 =	vld [tilespmem:s18+$0x30];
	[tilespmem:s17+$0x1B0 ss:$0x9] =	vst.msk $0xffff, v7  }
0x48: {  	s21 =	sshll.u32 s9, $0x7;
	s22 =	sshll.u32 s10, $0x3;
	s20 =	sshra.s32 s20, $0x2  }
0x49: {  	p1 =	sgt.s32 s9, $0x400F88;
	s23 =	sand.u32 $0xFFFFFC00, s21;
	s22 =	sand.u32 $0xFFFFFC00, s22  }
0x4a: {  	v5 =	vld [tilespmem:s18+$0xFFFFFFD0];
	s30 =	sshra.s32 s9, $0x1F;
	s21 =	sand.u32 $0x380, s21;
	s22 =	sadd.s32 s22, s23  }
0x4b: {  	v6 =	vld [tilespmem:s18+$0xFFFFFFE0];
	[tilespmem:s17+$0x240 ss:$0x9] =	vst.msk $0xffff, v4;
	s25 =	sshra.s32 s10, $0x1F;
	s19 =	sadd.s32 s20, s19;
	s29 =	sor.u32 s21, s22  }
0x4c: {  	v60 =	vld [tilespmem:s18+$0xFFFFFFF0];
	[tilespmem:s17+$0x2D0 ss:$0x9] =	vst.msk $0xffff, v3;
	s21 =	smov.u32 s9;
	s22 =	sand.u32 s30, s9;
	s30 =	sand.u32 $0x7, s10  }
0x4d: {  	v61 =	vld [tilespmem:s18+$0x0];
	[tilespmem:s17+$0x360 ss:$0x9] =	vst.msk $0xffff, v2;
	s20 =	sshrl.u32 s29, $0x7;
	s21 =	simm.s32 @!p1 $0x400F88;
	p1 =	sgt.s32 s10, $0x78  }
0x4e: {  	v62 =	vld [tilespmem:s18+$0x10];
	[tilespmem:s17+$0x0 ss:$0x9] =	vst.msk $0xffff, v1;
	s29 =	sshrl.u32 s10, $0x3;
	s24 =	ssub.s32 s21, s22;
	s21 =	smov.u32 s10  }
0x4f: {  	v63 =	vld [tilespmem:s18+$0x20];
	[tilespmem:s19+$0x3F0 ss:$0x9] =	vst.msk $0xffff, v0;
	s31 =	smulhi.u32 $0x1FF7FE1, s20;
	s22 =	sand.u32 s25, s10;
	s21 =	simm.s32 @!p1 $0x78  }
0x50: {  	[tilespmem:s19+$0x90 ss:$0x9] =	vst.msk $0xffff, v5;
	s27 =	sadd.s32 $0xFFBFF078, s24;
	s17 =	ssub.s32 $0x401008, s24;
	s21 =	ssub.s32 s21, s22  }
0x51: {  	v7 =	vld [tilespmem:s18+$0xFFFFFFC0];
	[tilespmem:s19+$0x120 ss:$0x9] =	vst.msk $0xffff, v6;
	s26 =	sshrl.u32 s31, $0xF;
	p1 =	sgt.s32 s27, $0x7F;
	s28 =	sadd.s32 $0xFFFFFF88, s21  }
0x52: {  	[tilespmem:s19+$0x1B0 ss:$0x9] =	vst.msk $0xffff, v60;
	s18 =	smul.u32 $0x401008, s26;
	s21 =	ssub.s32 $0x80, s21;
	p2 =	sgt.s32 s28, $0x7  }
.Ltmp4:
0x53: {  	[tilespmem:s19+$0x240 ss:$0x9] =	vst.msk $0xffff, v61;
	s17 =	simm.s32 @p1 $0x0;
	s21 =	simm.s32 @p2 $0x0;
	(pc) =	sbr.rel .LBB1_5-.Ltmp4, $4  }
0x54: {  	[tilespmem:s19+$0x2D0 ss:$0x9] =	vst.msk $0xffff, v62;
	s18 =	ssub.s32 s20, s18;
	s20 =	sand.u32 $0xF, s29;
	s17 =	smul.u32 s21, s17  }
0x55: {  	[tilespmem:s19+$0x360 ss:$0x9] =	vst.msk $0xffff, v63;
	s18 =	sshll.u32 s18, $0x4;
	s20 =	sadd.s32 s5, s20;
	s21 =	sshll.u32 s30, $0x12  }
0x56: {  	[tilespmem:s19+$0x0 ss:$0x9] =	vst.msk $0xffff, v7;
	s18 =	sadd.s32 s18, s20;
	s31 =	sor.u32 $0x8, s21;
	s17 =	sand.u32 $0x3FFFFFFF, s17  }
0x57: {  	[hbm4b:s18+s31] =	stream.strided.scatter [tilespmem:s16], [sflag:$0x2], s17, s8, s31, $0x0;
	[tilespmem:$0x1100] =	vst v63  }
.LBB1_6:
0x58: {  	_ =	sfence.sel $0x180000  }
0x59: {  	s2 =	simm.s32 $0x1;
	[bflag:$0x0] =	sbarrier.arrive $0xFFFF  }
0x5a: {  	s31 =	simm.s32 $0x2;
	[sflag:s2] =	ssyncpa.u1 $0x1  }
0x5b: {  	[sflag:s31] =	ssyncpa.u1 $0x1  }
0x5c: {  	p0 =	sne.s32 s1, $0x0;
	_ =	strace $0x9000004A  }
0x5d: {  	s0 =	sadd.s32 @!p0 $0x100000, s0;
	[bflag:$0x2] =	sbarrier.arrive $0xFFFF  }
0x5e: {  	[sflag:s0] =	ssyncadd.tile.s32 @!p0 $0x1;
	_ =	shalt  }
.Lfunc_end1:
_tile_overlayer_lowered:
.L_overlay_start_2:
0x5f: {  	(tag) =	ssettag $0x2  }
0x60: {  	s0 =	rddreg [dreg:$0x0];
	s2 =	stileid.u32  }
0x61: {  	s1 =	rddreg [dreg:$0x1];
	p0 =	sne.s32 s2, $0x0  }
0x62: {  	s3 =	rddreg [dreg:$0x2];
	[bflag:$0x3] =	sbarrier.arrive $0xFFFF;
	s2 =	simm.s32 @!p0 $0x1C01  }
0x63: {  	[timem:s3], [sflag:s2] =	dma.local @!p0 [hbm:s0], s1  }
0x64: {  	s0 =	simm.s32 @!p0 $0x1  }
0x65: {  	_ =	swait.ge @!p0 [sflag:s0], s1  }
0x66: {  	s1 =	ssub.s32 @!p0 $0x0, s1;
	[sflag:s0] =	ssyncset.done @!p0 $0x0  }
0x67: {  	[sflag:s0] =	ssyncadd.s32 @!p0 s1  }
0x68: {  	[bflag:$0x3] =	sbarrier.arrive $0xFFFF  }
0x69: {  	_ =	shalt  }

// kernel: sparse-core-data-format-call.cloned.1.call-start
scs
called_computation_lowered:
.L_overlay_start_0:
0x0: {  	s1 =	sld [smem:$0x3FD9]  }
0x1: {  	s2 =	sld [smem:$0x3FFE];
	_ =	sdelay $0x1  }
0x2: {  	s3 =	srdreg.scid  }
0x3: {  	s0 =	sand.u32 $0x1, s3  }
0x4: {  	s17 =	sshll.u32 s0, $0xA;
	s1 =	sadd.s32 s2, s1  }
0x5: {  	s1 =	sadd.s32 s1, s17  }
0x6: {  	[smem:$0x3FC6] =	sst s1  }
0x7: {  	_ = 	snop  }
0x8: {  	(tm) =	ssettm $0x1  }
0x9: {  	s18 =	sld [smem:$0x3FFB];
	_ =	sdelay $0x3  }
0xa: {  	_ =	strace s18  }
0xb: {  	s1 =	sld [smem:$0x3FFC];
	_ =	sdelay $0x3  }
0xc: {  	_ =	strace s1  }
0xd: {  	s1 =	sld [smem:$0x3FFD];
	_ =	sdelay $0x3  }
0xe: {  	_ =	strace s1  }
0xf: {  	_ =	strace $0x8FFFFFFF  }
0x10: {  	s19 =	sld [smem:$0x3FDB];
	_ =	sdelay $0x1  }
0x11: {  	s20 =	simm.s32 $_scs_section_size  }
0x12: {  	s4 =	simm.s32 $_size__tile_overlayer_lowered;
	s5 =	simm.s32 $_tile_overlayer_lowered  }
0x13: {  	s23 =	simm.s32 $0x1BFF;
	s22 =	sshll.u32 s5, $0x1;
	s1 =	sadd.s32 s20, s19  }
0x14: {  	s6 =	simm.s32 $0x0;
	s21 =	sshll.u32 s4, $0x1;
	s4 =	sadd.s32 s22, s1  }
0x15: {  	[timem:s6], [sflag:s23] =	dma.local [hbm:s4], s21  }
0x16: {  	_ =	swait.ge [sflag:s23], s21  }
0x17: {  	s2 =	ssub.s32 $0x0, s21;
	[sflag:s23] =	ssyncset.done $0x0  }
0x18: {  	[sflag:s23] =	ssyncadd.s32 s2;
	_ =	sdelay $0x1  }
0x19: {  	s24 =	simm.s32 $0x1B8B  }
0x1a: {  	_ =	swait.ge [sflag:s24], $0x1  }
0x1b: {  	[sflag:s24] =	ssyncset.done $0x0  }
0x1c: {  	s26 =	simm.s32 $0x1B8E;
	s25 =	sld [smem:$0x3FFE];
	[sflag:s24] =	ssyncadd.s32 $0xFFFFFFFF  }
0x1d: {  	s27 =	simm.s32 $execute0_lowered;
	[smem:$0x3FD2] =	sst s26  }
0x1e: {  	s4 =	sshll.u32 s27, $0x1;
	_ =	strace $0x8000004F;
	[dreg:$0x1] =	wrdreg $0xFFFFFFFF  }
0x1f: {  	s28 =	simm.s32 $_size_execute0_lowered;
	s1 =	sadd.s32 s1, s4;
	[dreg:$0x0] =	wrdreg $0x0  }
0x20: {  	s4 =	sshll.u32 s28, $0x1;
	[dreg:$0x2] =	wrdreg s1  }
0x21: {  	[dreg:$0x3] =	wrdreg s4  }
0x22: {  	[dreg:$0x4] =	wrdreg $0xC0  }
0x23: {  	_ =	task [dreg:s6], $0x5FFFF  }
0x24: {  	[dreg:$0x1] =	wrdreg $0xFFFFFFFF  }
0x25: {  	[dreg:$0x0] =	wrdreg $0x60  }
0x26: {  	[dreg:$0x2] =	wrdreg s25  }
0x27: {  	[dreg:$0x3] =	wrdreg $0x9  }
0x28: {  	_ =	task.clear_ibuf [dreg:s6], $0x4FFFF;
	_ =	strace $0x9000004F  }
0x29: {  	s29 =	simm.s32 $0x9;
	_ =	strace $0x80000051  }
0x2a: {  	_ =	swait.ge [sflag:s29], $0x1  }
0x2b: {  	[sflag:s29] =	ssyncadd.s32 $0xFFFFFFFF  }
0x2c: {  	_ =	strace $0x90000051  }
0x2d: {  	_ =	sfence  }
0x2e: {  	s30 =	sld [smem:$0x0];
	_ =	sdelay $0x2  }
0x2f: {  	s31 =	sshll.u32 s3, $0xD;
	s3 =	sshrl.u32 s3, $0x2  }
0x30: {  	s2 =	sand.u32 $0x4000, s31;
	s1 =	sadd.s32 s3, s30  }
0x31: {  	s0 =	sor.u32 s2, s0;
	s1 =	sshll.u32 s1, $0x11  }
0x32: {  	s0 =	sor.u32 s1, s0  }
0x33: {  	s0 =	sadd.s32 $0x8F2B, s0  }
0x34: {  	[sflag:s0] =	ssyncadd.remote.s32 $0x1  }
0x35: {  	_ =	sfence.sel $0xFFFF  }
0x36: {  	[dreg:$0x0] =	wrdreg $0xFFFFFFFF;
	(pc) =	sbr.abs _section_cstart, $3  }
0x37: {  	[dreg:$0x1] =	wrdreg $0xFFFFFFFF  }
0x38: {  	_ =	task.clear_ibuf [dreg:s6], $0x2FFFF;
	_ =	strace $0x9FFFFFFF  }
0x39: {  	(tm) =	ssettm $0x7FFFFFFF  }
tec
execute0_lowered:
.L_overlay_start_1:
0x0: {  	(tag) =	ssettag $0x1  }
0x1: {  	s0 =	stileid.u32;
	s7 =	rddreg [dreg:$0x0]  }
0x2: {  	s3 =	srdreg.scid;
	s1 =	rddreg [dreg:$0x1];
	_ =	strace $0x80000050  }
0x3: {  	s31 =	simm.s32 $0x2;
	s13 =	simm.s32 $0x0;
	s2 =	sshll.u32 s0, $0x7  }
0x4: {  	s12 =	simm.s32 $0x0;
	s3 =	sand.u32 $0x1, s3;
	s4 =	ssub.s32 $0x800, s2  }
0x5: {  	s11 =	simm.s32 $0x0;
	s6 =	ssub.s32 $0x800, s3;
	s5 =	sand.u32 $0x780, s4  }
0x6: {  	s4 =	sshrl.u32 s4, $0xB;
	p0 =	sne.s32 s5, $0x0;
	s5 =	simm.s32 $0x1  }
.Ltmp0:
0x7: {  	s8 =	sshrl.u32 s6, $0x1;
	s5 =	simm.s32 @!p0 $0x0;
	(pc) =	sbr.rel .LBB1_1-.Ltmp0, $4  }
0x8: {  	s10 =	smov.u32 s2;
	s6 =	ssub.s32 s6, s8;
	s9 =	sadd.s32 s5, s4  }
0x9: {  	p0 =	por $0x0, $0x0;
	s5 =	simm.s32 $0x1;
	s6 =	smul.u32 s6, s9  }
0xa: {  	s4 =	sadd.s32 $0xA85800, s7;
	s7 =	sadd.s32 $0x284600, s7;
	[sflag:s5] =	ssyncpa.u1 $0x0  }
0xb: {  	s9 =	smov.u32 s3;
	[sflag:s31] =	ssyncpa.u1 $0x0;
	s8 =	sadd.s32 $0x1, s6  }
.LBB1_4:
0xc: {  	s16 =	sshll.u32 s12, $0x3  }
0xd: {  	s17 =	sand.u32 $0x78, s12;
	s18 =	sand.u32 $0x700, s12;
	s16 =	sand.u32 $0x400, s16  }
0xe: {  	s13 =	sshll.u32 s13, $0xB;
	s30 =	sadd.s32 s7, s18;
	s16 =	sor.u32 s17, s16  }
0xf: {  	s13 =	sadd.s32 s13, s30;
	s16 =	sshrl.u32 s16, $0x3  }
0x10: {  	[tilespmem:s15+$0x0 ss:$0x81] =	vst.msk $0xff, v1;
	s31 =	sand.u32 $0x7, s12;
	s13 =	sadd.s32 s16, s13  }
0x11: {  	[hbm4b:s13+s31] =	stream.linear.scatter [tilespmem:s14], [sflag:$0x2], $0x400, $0x20;
	[tilespmem:$0x1010] =	vst v63  }
.LBB1_5:
0x12: {  	s14 =	sadd.s32 $0x2, s9  }
0x13: {  	s12 =	sadd.s32 $0x800, s10;
	s16 =	smov.u32 s10;
	p2 =	sgt.s32 s14, $0x7FF  }
0x14: {  	s16 =	smov.u32 @p2 s12  }
0x15: {  	s14 =	smov.u32 @p2 s3;
	p2 =	sgt.s32 s16, $0x7FF  }
0x16: {  	s16 =	smov.u32 @p2 s2;
	p2 =	sne.s32 s11, s8  }
.Ltmp1:
0x17: {  	p1 =	slt.u32 s11, $0x2;
	(pc) =	sbr.rel @!p2 .LBB1_6-.Ltmp1, $4  }
0x18: {  	s15 =	simm.s32 @!p1 $0x2  }
0x19: {  	s13 =	smov.u32 s9;
	p0 =	por !p0, !p0;
	_ =	swait.ge @!p1 [sflag:s15], $0x400  }
0x1a: {  	s12 =	smov.u32 s10;
	[sflag:s15] =	ssyncset.done @!p1 $0x0;
	s9 =	smov.u32 s14  }
0x1b: {  	s11 =	sadd.s32 $0x1, s11;
	[sflag:s15] =	ssyncadd.s32 @!p1 $0xFFFFFC00;
	s10 =	smov.u32 s16  }
.LBB1_1:
0x1c: {  	p1 =	sge.u32 s11, s6  }
0x1d: {  	s31 =	sadd.s32 $0xFFFFFFFF, s11;
	s14 =	sxor.u32 @!p1 $0xFFFFFFFF, s11  }
0x1e: {  	s15 =	sshll.u32 @!p1 s10, $0xF;
	s16 =	sshll.u32 @!p1 s9, $0x4;
	s17 =	simm.s32 @!p1 $0x40000  }
0x1f: {  	s14 =	sshll.u32 @!p1 s14, $0xA;
	s16 =	sand.u32 @!p1 $0x7FF0, s16;
	s15 =	sadd.s32 @!p1 s4, s15  }
0x20: {  	s14 =	sand.u32 @!p1 $0x400, s14;
	s15 =	sadd.s32 @!p1 s16, s15;
	s16 =	simm.s32 @!p1 $0x8  }
0x21: {  	[tilespmem:s14], [sflag:$0x1] =	stream.strided.gather @!p1 [hbm4b:s15+s16], $0x400, s17, s16, $0x38;
	[tilespmem:$0x1010] =	vst v63  }
0x22: {  	p1 =	sge.u32 s31, s6  }
.Ltmp2:
0x23: {  	_ = 	snop;
	(pc) =	sbr.rel @p1 .LBB1_5-.Ltmp2, $1  }
0x24: {  	_ =	sdelay $0x3  }
0x25: {  	s14 =	simm.s32 $0x1  }
0x26: {  	s14 =	simm.s32 @!p0 $0x0  }
0x27: {  	s15 =	sshll.u32 s14, $0xA  }
0x28: {  	v0 =	vmov s15;
	_ =	sdelay $0x1  }
0x29: {  	_ =	swait.ge [sflag:s5], $0x400  }
0x2a: {  	s31 =	sand.u32 $0x1, s11;
	[sflag:s5] =	ssyncset.done $0x0  }
0x2b: {  	s17 =	simm.s32 $0x0;
	s14 =	smul.u32 $0x1020, s14;
	[sflag:s5] =	ssyncadd.s32 $0xFFFFFC00  }
0x2c: {  	s15 =	smul.u32 $0x1020, s31;
	v1 =	vld.idx.msk [tilespmem:v0+s17+$0x0 ss:$0x1], $0xff;
	_ =	sdelay $0x1  }
0x2d: {  	s14 =	sshrl.u32 s14, $0x2;
	s16 =	sshrl.u32 s15, $0x2  }
0x2e: {  	s15 =	sor.u32 $0x800, s14;
	s14 =	sor.u32 $0x800, s16;
	s16 =	simm.s32 $0x20  }
.LBB1_3:
0x2f: {  	s17 =	sshra.s32 s16, $0x2;
	p1 =	sne.s32 s16, $0xFE0;
	s16 =	sadd.s32 $0x20, s16  }
.Ltmp3:
0x30: {  	[tilespmem:s15+$0x0 ss:$0x81] =	vst.msk $0xff, v1;
	v1 =	vld.idx.msk [tilespmem:v0+s17+$0x0 ss:$0x1], $0xff;
	(pc) =	sbr.rel @p1 .LBB1_3-.Ltmp3, $2  }
0x31: {  	_ =	sdelay $0x2  }
0x32: {  	s15 =	sadd.s32 $0x1, s15  }
.Ltmp4:
0x33: {  	_ = 	snop;
	(pc) =	sbr.rel .LBB1_4-.Ltmp4, $1  }
0x34: {  	_ =	sdelay $0x3  }
.LBB1_6:
0x35: {  	_ =	sfence.sel $0x180000  }
0x36: {  	s2 =	simm.s32 $0x1;
	[bflag:$0x0] =	sbarrier.arrive $0xFFFF  }
0x37: {  	s31 =	simm.s32 $0x2;
	[sflag:s2] =	ssyncpa.u1 $0x1  }
0x38: {  	[sflag:s31] =	ssyncpa.u1 $0x1  }
0x39: {  	p0 =	sne.s32 s0, $0x0;
	_ =	strace $0x90000050  }
0x3a: {  	s0 =	sadd.s32 @!p0 $0x100000, s1;
	[bflag:$0x2] =	sbarrier.arrive $0xFFFF  }
0x3b: {  	[sflag:s0] =	ssyncadd.tile.s32 @!p0 $0x1;
	_ =	shalt  }
.Lfunc_end1:
_tile_overlayer_lowered:
.L_overlay_start_2:
0x3c: {  	(tag) =	ssettag $0x2  }
0x3d: {  	s0 =	rddreg [dreg:$0x0];
	s2 =	stileid.u32  }
0x3e: {  	s1 =	rddreg [dreg:$0x1];
	p0 =	sne.s32 s2, $0x0  }
0x3f: {  	s3 =	rddreg [dreg:$0x2];
	[bflag:$0x3] =	sbarrier.arrive $0xFFFF;
	s2 =	simm.s32 @!p0 $0x1C01  }
0x40: {  	[timem:s3], [sflag:s2] =	dma.local @!p0 [hbm:s0], s1  }
0x41: {  	s0 =	simm.s32 @!p0 $0x1  }
0x42: {  	_ =	swait.ge @!p0 [sflag:s0], s1  }
0x43: {  	s1 =	ssub.s32 @!p0 $0x0, s1;
	[sflag:s0] =	ssyncset.done @!p0 $0x0  }
0x44: {  	[sflag:s0] =	ssyncadd.s32 @!p0 s1  }
0x45: {  	[bflag:$0x3] =	sbarrier.arrive $0xFFFF  }
0x46: {  	_ =	shalt  }

</sc_bundles>
